<compile_context>
chip_gen: v7x
topology: tpu7x:2x2x1
jax: 0.10.2.dev20260603
libtpu: 0.0.44.dev20260713+nightly
codegen_flags: <defaults>
</compile_context>

<pallas_src>
import functools

import jax
import jax.numpy as jnp
from jax import lax
from jax.experimental import pallas as pl
from jax.experimental.pallas import tpu as pltpu
from jax.experimental.pallas import tpu_sc as plsc

_B = 128
_T = 8192
_NC = 2
_NW = 16 * _NC
_RPW = _B // _NW
_L = 16
_NACC = 16

_mesh = plsc.VectorSubcoreMesh(core_axis_name="c", subcore_axis_name="s",
                               num_cores=_NC)


@functools.partial(
    pl.kernel,
    out_type=jax.ShapeDtypeStruct((_NW, _L), jnp.float32),
    mesh=_mesh,
    scratch_types=(
        [pltpu.VMEM((_T,), jnp.float32) for _ in range(_RPW)]
        + [pltpu.VMEM((_L,), jnp.float32),
           pltpu.VMEM((_L,), jnp.float32)]
        + [pltpu.SemaphoreType.DMA for _ in range(_RPW + 1)]
    ),
    compiler_params=pltpu.CompilerParams(needs_layout_passes=False),
)
def _weighted_row_partials(logp_hbm, rew_hbm, out_hbm, *scratch):
    bufs = scratch[:_RPW]
    rew_v, part_v = scratch[_RPW], scratch[_RPW + 1]
    sems = scratch[_RPW + 2:]

    w = lax.axis_index("c") * 16 + lax.axis_index("s")
    row0 = w * _RPW
    rbase = (row0 // _L) * _L
    lane0 = row0 - rbase

    copies = [pltpu.async_copy(logp_hbm.at[row0 + j], bufs[j], sems[j])
              for j in range(_RPW)]
    rew_copy = pltpu.async_copy(rew_hbm.at[pl.ds(rbase, _L)], rew_v,
                                sems[_RPW])

    part = jnp.zeros((_L,), jnp.float32)

    for j in range(_RPW):
        copies[j].wait()
        if j == 0:
            rew_copy.wait()
        buf = bufs[j]

        def body(i, accs, buf=buf):
            base = i * (_NACC * _L)
            return tuple(accs[k] + buf[pl.ds(base + k * _L, _L)]
                         for k in range(_NACC))

        accs = lax.fori_loop(
            0, _T // (_NACC * _L), body,
            tuple(jnp.zeros((_L,), jnp.float32) for _ in range(_NACC)))
        acc = accs[0]
        for k in range(1, _NACC):
            acc = acc + accs[k]
        rew_bcast = plsc.load_gather(
            rew_v, [jnp.full((_L,), lane0 + j, jnp.int32)])
        part = part + rew_bcast * acc

    part_v[...] = part
    pltpu.sync_copy(part_v, out_hbm.at[w])


def kernel(seq, logP, rewards):
    del seq
    parts = _weighted_row_partials(logP, rewards)
    return -jnp.sum(parts) / jnp.float32(_B * _T)

# --- scband reference (transcript-rebuilt; emitter-appended) ---
"""Pipeline reference for scband-reward-criterion-topic-37838661877867 (READ-ONLY COPY).

The authoritative reference and input builder live on the scoring server;
editing this copy changes nothing except your own understanding.
"""

import jax, jax.numpy as jnp
import numpy as np


def setup_inputs(seed: int = 0) -> dict:
    key = jax.random.key(seed)
    k_seq, k_logp, k_rew = jax.random.split(key, 3)
    B, T = 128, 8192
    seq = jax.random.randint(k_seq, (B, T), 0, 50000, dtype=jnp.int64)
    logP = jax.random.normal(k_logp, (B, T), dtype=jnp.float32)
    rewards = jax.random.normal(k_rew, (B,), dtype=jnp.float32)
    return {"seq": seq, "logP": logP, "rewards": rewards}


def reference(seq, logP, rewards):
    # mask = seq >= 0 ; wt_mask = mask.float()
    mask = seq >= 0
    wt_mask = mask.astype(jnp.float32)
    # rewards.view(-1, 1).expand_as(logP)
    r = jnp.broadcast_to(rewards.reshape(-1, 1), logP.shape)
    # torch.masked_select + sum is equivalent to a masked sum:
    # sum over masked positions of -logP * r * wt_mask (wt_mask==1 where selected)
    num = jnp.sum(jnp.where(mask, -logP * r * wt_mask, jnp.float32(0.0)))
    den = jnp.sum(wt_mask)
    loss = num / den
    return loss

if __name__ == "__main__":
    import jax
    _d = setup_inputs()
    print(jax.jit(kernel)(*tuple(_d.values())))

</pallas_src>

<mosaic_0001>
#map = affine_map<(d0, d1) -> (0, 0)>
#map1 = affine_map<(d0, d1) -> (0)>
module attributes {stable_mosaic.version = 14 : i64} {
  func.func @_weighted_row_partials(%arg0: i32, %arg1: i32, %arg2: memref<128x8192xf32, #tpu.memory_space<hbm>>, %arg3: memref<128xf32, #tpu.memory_space<hbm>>, %arg4: memref<32x16xf32, #tpu.memory_space<hbm>>, %arg5: memref<8192xf32, #tpu.memory_space<vmem>>, %arg6: memref<8192xf32, #tpu.memory_space<vmem>>, %arg7: memref<8192xf32, #tpu.memory_space<vmem>>, %arg8: memref<8192xf32, #tpu.memory_space<vmem>>, %arg9: memref<16xf32, #tpu.memory_space<vmem>>, %arg10: memref<16xf32, #tpu.memory_space<vmem>>, %arg11: memref<!tpu.dma_semaphore, #tpu.memory_space<semaphore_mem>>, %arg12: memref<!tpu.dma_semaphore, #tpu.memory_space<semaphore_mem>>, %arg13: memref<!tpu.dma_semaphore, #tpu.memory_space<semaphore_mem>>, %arg14: memref<!tpu.dma_semaphore, #tpu.memory_space<semaphore_mem>>, %arg15: memref<!tpu.dma_semaphore, #tpu.memory_space<semaphore_mem>>) attributes {dimension_semantics = [#tpu.dimension_semantics<core_parallel>, #tpu.dimension_semantics<subcore_parallel>], iteration_bounds = array<i64: 2, 16>, scalar_prefetch = 0 : i64, scratch_operands = 11 : i64, tpu.core_type = #tpu.core_type<sc_vector_subcore>, window_params = [{transform_indices = #map}, {transform_indices = #map1}, {transform_indices = #map}]} {
    %mul3A = arith.constant 16 : i32
    %mul3A_0 = arith.muli %arg0, %mul3A : i32
    %add3A = arith.addi %mul3A_0, %arg1 : i32
    %mul3A_1 = arith.constant 4 : i32
    %mul3A_2 = arith.muli %add3A, %mul3A_1 : i32
    %jit3A = arith.constant 16 : i32
    %div3A = arith.divsi %mul3A_2, %jit3A : i32
    %sign3A = arith.constant 0 : i32
    %sign3A_3 = arith.cmpi sgt, %mul3A_2, %sign3A : i32
    %sign3A_4 = arith.extui %sign3A_3 : i1 to i32
    %sign3A_5 = arith.constant 0 : i32
    %sign3A_6 = arith.cmpi slt, %mul3A_2, %sign3A_5 : i32
    %sign3A_7 = arith.extui %sign3A_6 : i1 to i32
    %sign3A_8 = arith.subi %sign3A_4, %sign3A_7 : i32
    %sign3A_9 = arith.constant 0 : i32
    %sign3A_10 = arith.cmpi sgt, %jit3A, %sign3A_9 : i32
    %sign3A_11 = arith.extui %sign3A_10 : i1 to i32
    %sign3A_12 = arith.constant 0 : i32
    %sign3A_13 = arith.cmpi slt, %jit3A, %sign3A_12 : i32
    %sign3A_14 = arith.extui %sign3A_13 : i1 to i32
    %sign3A_15 = arith.subi %sign3A_11, %sign3A_14 : i32
    %ne3A = arith.cmpi ne, %sign3A_8, %sign3A_15 : i32
    %rem3A = arith.remsi %mul3A_2, %jit3A : i32
    %ne3A_16 = arith.constant 0 : i32
    %ne3A_17 = arith.cmpi ne, %rem3A, %ne3A_16 : i32
    %and3A = arith.andi %ne3A, %ne3A_17 : i1
    %sub3A = arith.constant 1 : i32
    %sub3A_18 = arith.subi %div3A, %sub3A : i32
    %select_n3A = arith.select %and3A, %sub3A_18, %div3A : i32
    %mul3A_19 = arith.constant 16 : i32
    %mul3A_20 = arith.muli %select_n3A, %mul3A_19 : i32
    %sub3A_21 = arith.subi %mul3A_2, %mul3A_20 : i32
    %add3A_22 = arith.constant 0 : i32
    %add3A_23 = arith.addi %mul3A_2, %add3A_22 : i32
    %dma_start3A = arith.constant 0 : i32
    %dma_start3A_24 = tpu.memref_slice %arg2[%add3A_23, %dma_start3A] : memref<128x8192xf32, #tpu.memory_space<hbm>> -> memref<1x8192xf32, #tpu.memory_space<hbm>>
    %dma_start3A_25 = tpu.memref_squeeze %dma_start3A_24 : memref<1x8192xf32, #tpu.memory_space<hbm>> -> memref<8192xf32, #tpu.memory_space<hbm>>
    %dma_start3A_26 = arith.constant 0 : i32
    %dma_start3A_27 = tpu.memref_slice %arg2[%add3A_23, %dma_start3A_26] : memref<128x8192xf32, #tpu.memory_space<hbm>> -> memref<1x8192xf32, #tpu.memory_space<hbm>>
    %dma_start3A_28 = tpu.memref_squeeze %dma_start3A_27 : memref<1x8192xf32, #tpu.memory_space<hbm>> -> memref<8192xf32, #tpu.memory_space<hbm>>
    tpu.enqueue_dma source(%dma_start3A_28 : memref<8192xf32, #tpu.memory_space<hbm>>) target(%arg5 : memref<8192xf32, #tpu.memory_space<vmem>>) target_semaphore(%arg11 : memref<!tpu.dma_semaphore, #tpu.memory_space<semaphore_mem>>)
    %add3A_29 = arith.constant 1 : i32
    %add3A_30 = arith.addi %mul3A_2, %add3A_29 : i32
    %dma_start3A_31 = arith.constant 0 : i32
    %dma_start3A_32 = tpu.memref_slice %arg2[%add3A_30, %dma_start3A_31] : memref<128x8192xf32, #tpu.memory_space<hbm>> -> memref<1x8192xf32, #tpu.memory_space<hbm>>
    %dma_start3A_33 = tpu.memref_squeeze %dma_start3A_32 : memref<1x8192xf32, #tpu.memory_space<hbm>> -> memref<8192xf32, #tpu.memory_space<hbm>>
    %dma_start3A_34 = arith.constant 0 : i32
    %dma_start3A_35 = tpu.memref_slice %arg2[%add3A_30, %dma_start3A_34] : memref<128x8192xf32, #tpu.memory_space<hbm>> -> memref<1x8192xf32, #tpu.memory_space<hbm>>
    %dma_start3A_36 = tpu.memref_squeeze %dma_start3A_35 : memref<1x8192xf32, #tpu.memory_space<hbm>> -> memref<8192xf32, #tpu.memory_space<hbm>>
    tpu.enqueue_dma source(%dma_start3A_36 : memref<8192xf32, #tpu.memory_space<hbm>>) target(%arg6 : memref<8192xf32, #tpu.memory_space<vmem>>) target_semaphore(%arg12 : memref<!tpu.dma_semaphore, #tpu.memory_space<semaphore_mem>>)
    %add3A_37 = arith.constant 2 : i32
    %add3A_38 = arith.addi %mul3A_2, %add3A_37 : i32
    %dma_start3A_39 = arith.constant 0 : i32
    %dma_start3A_40 = tpu.memref_slice %arg2[%add3A_38, %dma_start3A_39] : memref<128x8192xf32, #tpu.memory_space<hbm>> -> memref<1x8192xf32, #tpu.memory_space<hbm>>
    %dma_start3A_41 = tpu.memref_squeeze %dma_start3A_40 : memref<1x8192xf32, #tpu.memory_space<hbm>> -> memref<8192xf32, #tpu.memory_space<hbm>>
    %dma_start3A_42 = arith.constant 0 : i32
    %dma_start3A_43 = tpu.memref_slice %arg2[%add3A_38, %dma_start3A_42] : memref<128x8192xf32, #tpu.memory_space<hbm>> -> memref<1x8192xf32, #tpu.memory_space<hbm>>
    %dma_start3A_44 = tpu.memref_squeeze %dma_start3A_43 : memref<1x8192xf32, #tpu.memory_space<hbm>> -> memref<8192xf32, #tpu.memory_space<hbm>>
    tpu.enqueue_dma source(%dma_start3A_44 : memref<8192xf32, #tpu.memory_space<hbm>>) target(%arg7 : memref<8192xf32, #tpu.memory_space<vmem>>) target_semaphore(%arg13 : memref<!tpu.dma_semaphore, #tpu.memory_space<semaphore_mem>>)
    %add3A_45 = arith.constant 3 : i32
    %add3A_46 = arith.addi %mul3A_2, %add3A_45 : i32
    %dma_start3A_47 = arith.constant 0 : i32
    %dma_start3A_48 = tpu.memref_slice %arg2[%add3A_46, %dma_start3A_47] : memref<128x8192xf32, #tpu.memory_space<hbm>> -> memref<1x8192xf32, #tpu.memory_space<hbm>>
    %dma_start3A_49 = tpu.memref_squeeze %dma_start3A_48 : memref<1x8192xf32, #tpu.memory_space<hbm>> -> memref<8192xf32, #tpu.memory_space<hbm>>
    %dma_start3A_50 = arith.constant 0 : i32
    %dma_start3A_51 = tpu.memref_slice %arg2[%add3A_46, %dma_start3A_50] : memref<128x8192xf32, #tpu.memory_space<hbm>> -> memref<1x8192xf32, #tpu.memory_space<hbm>>
    %dma_start3A_52 = tpu.memref_squeeze %dma_start3A_51 : memref<1x8192xf32, #tpu.memory_space<hbm>> -> memref<8192xf32, #tpu.memory_space<hbm>>
    tpu.enqueue_dma source(%dma_start3A_52 : memref<8192xf32, #tpu.memory_space<hbm>>) target(%arg8 : memref<8192xf32, #tpu.memory_space<vmem>>) target_semaphore(%arg14 : memref<!tpu.dma_semaphore, #tpu.memory_space<semaphore_mem>>)
    %dma_start3A_53 = tpu.memref_slice %arg3[%mul3A_20] : memref<128xf32, #tpu.memory_space<hbm>> -> memref<16xf32, #tpu.memory_space<hbm>>
    %dma_start3A_54 = tpu.memref_slice %arg3[%mul3A_20] : memref<128xf32, #tpu.memory_space<hbm>> -> memref<16xf32, #tpu.memory_space<hbm>>
    tpu.enqueue_dma source(%dma_start3A_54 : memref<16xf32, #tpu.memory_space<hbm>>) target(%arg9 : memref<16xf32, #tpu.memory_space<vmem>>) target_semaphore(%arg15 : memref<!tpu.dma_semaphore, #tpu.memory_space<semaphore_mem>>)
    %broadcast_in_dim3A = arith.constant 0.000000e+00 : f32
    %broadcast_in_dim3A_55 = vector.broadcast %broadcast_in_dim3A : f32 to vector<16xf32>
    %dma_wait3A = arith.constant 0 : i32
    %dma_wait3A_56 = tpu.memref_slice %arg2[%add3A_23, %dma_wait3A] : memref<128x8192xf32, #tpu.memory_space<hbm>> -> memref<1x8192xf32, #tpu.memory_space<hbm>>
    %dma_wait3A_57 = tpu.memref_squeeze %dma_wait3A_56 : memref<1x8192xf32, #tpu.memory_space<hbm>> -> memref<8192xf32, #tpu.memory_space<hbm>>
    %dma_wait3A_58 = arith.constant 0 : i32
    %dma_wait3A_59 = tpu.memref_slice %arg2[%add3A_23, %dma_wait3A_58] : memref<128x8192xf32, #tpu.memory_space<hbm>> -> memref<1x8192xf32, #tpu.memory_space<hbm>>
    %dma_wait3A_60 = tpu.memref_squeeze %dma_wait3A_59 : memref<1x8192xf32, #tpu.memory_space<hbm>> -> memref<8192xf32, #tpu.memory_space<hbm>>
    tpu.wait_dma2 semaphore(%arg11 : memref<!tpu.dma_semaphore, #tpu.memory_space<semaphore_mem>>) src(%dma_wait3A_60 : memref<8192xf32, #tpu.memory_space<hbm>>) dst(%arg5 : memref<8192xf32, #tpu.memory_space<vmem>>)
    %dma_wait3A_61 = tpu.memref_slice %arg3[%mul3A_20] : memref<128xf32, #tpu.memory_space<hbm>> -> memref<16xf32, #tpu.memory_space<hbm>>
    %dma_wait3A_62 = tpu.memref_slice %arg3[%mul3A_20] : memref<128xf32, #tpu.memory_space<hbm>> -> memref<16xf32, #tpu.memory_space<hbm>>
    tpu.wait_dma2 semaphore(%arg15 : memref<!tpu.dma_semaphore, #tpu.memory_space<semaphore_mem>>) src(%dma_wait3A_62 : memref<16xf32, #tpu.memory_space<hbm>>) dst(%arg9 : memref<16xf32, #tpu.memory_space<vmem>>)
    %broadcast_in_dim3A_63 = arith.constant 0.000000e+00 : f32
    %broadcast_in_dim3A_64 = vector.broadcast %broadcast_in_dim3A_63 : f32 to vector<16xf32>
    %broadcast_in_dim3A_65 = arith.constant 0.000000e+00 : f32
    %broadcast_in_dim3A_66 = vector.broadcast %broadcast_in_dim3A_65 : f32 to vector<16xf32>
    %broadcast_in_dim3A_67 = arith.constant 0.000000e+00 : f32
    %broadcast_in_dim3A_68 = vector.broadcast %broadcast_in_dim3A_67 : f32 to vector<16xf32>
    %broadcast_in_dim3A_69 = arith.constant 0.000000e+00 : f32
    %broadcast_in_dim3A_70 = vector.broadcast %broadcast_in_dim3A_69 : f32 to vector<16xf32>
    %broadcast_in_dim3A_71 = arith.constant 0.000000e+00 : f32
    %broadcast_in_dim3A_72 = vector.broadcast %broadcast_in_dim3A_71 : f32 to vector<16xf32>
    %broadcast_in_dim3A_73 = arith.constant 0.000000e+00 : f32
    %broadcast_in_dim3A_74 = vector.broadcast %broadcast_in_dim3A_73 : f32 to vector<16xf32>
    %broadcast_in_dim3A_75 = arith.constant 0.000000e+00 : f32
    %broadcast_in_dim3A_76 = vector.broadcast %broadcast_in_dim3A_75 : f32 to vector<16xf32>
    %broadcast_in_dim3A_77 = arith.constant 0.000000e+00 : f32
    %broadcast_in_dim3A_78 = vector.broadcast %broadcast_in_dim3A_77 : f32 to vector<16xf32>
    %broadcast_in_dim3A_79 = arith.constant 0.000000e+00 : f32
    %broadcast_in_dim3A_80 = vector.broadcast %broadcast_in_dim3A_79 : f32 to vector<16xf32>
    %broadcast_in_dim3A_81 = arith.constant 0.000000e+00 : f32
    %broadcast_in_dim3A_82 = vector.broadcast %broadcast_in_dim3A_81 : f32 to vector<16xf32>
    %broadcast_in_dim3A_83 = arith.constant 0.000000e+00 : f32
    %broadcast_in_dim3A_84 = vector.broadcast %broadcast_in_dim3A_83 : f32 to vector<16xf32>
    %broadcast_in_dim3A_85 = arith.constant 0.000000e+00 : f32
    %broadcast_in_dim3A_86 = vector.broadcast %broadcast_in_dim3A_85 : f32 to vector<16xf32>
    %broadcast_in_dim3A_87 = arith.constant 0.000000e+00 : f32
    %broadcast_in_dim3A_88 = vector.broadcast %broadcast_in_dim3A_87 : f32 to vector<16xf32>
    %broadcast_in_dim3A_89 = arith.constant 0.000000e+00 : f32
    %broadcast_in_dim3A_90 = vector.broadcast %broadcast_in_dim3A_89 : f32 to vector<16xf32>
    %broadcast_in_dim3A_91 = arith.constant 0.000000e+00 : f32
    %broadcast_in_dim3A_92 = vector.broadcast %broadcast_in_dim3A_91 : f32 to vector<16xf32>
    %broadcast_in_dim3A_93 = arith.constant 0.000000e+00 : f32
    %broadcast_in_dim3A_94 = vector.broadcast %broadcast_in_dim3A_93 : f32 to vector<16xf32>
    %scan3A = arith.constant 0 : i32
    %scan3A_95 = arith.constant 32 : i32
    %scan3A_96 = arith.addi %scan3A, %scan3A_95 : i32
    %scan3A_97 = arith.constant 1 : i32
    %scan3A_98:16 = scf.for %scan3A_316 = %scan3A to %scan3A_96 step %scan3A_97 iter_args(%scan3A_317 = %broadcast_in_dim3A_64, %scan3A_318 = %broadcast_in_dim3A_66, %scan3A_319 = %broadcast_in_dim3A_68, %scan3A_320 = %broadcast_in_dim3A_70, %scan3A_321 = %broadcast_in_dim3A_72, %scan3A_322 = %broadcast_in_dim3A_74, %scan3A_323 = %broadcast_in_dim3A_76, %scan3A_324 = %broadcast_in_dim3A_78, %scan3A_325 = %broadcast_in_dim3A_80, %scan3A_326 = %broadcast_in_dim3A_82, %scan3A_327 = %broadcast_in_dim3A_84, %scan3A_328 = %broadcast_in_dim3A_86, %scan3A_329 = %broadcast_in_dim3A_88, %scan3A_330 = %broadcast_in_dim3A_90, %scan3A_331 = %broadcast_in_dim3A_92, %scan3A_332 = %broadcast_in_dim3A_94) -> (vector<16xf32>, vector<16xf32>, vector<16xf32>, vector<16xf32>, vector<16xf32>, vector<16xf32>, vector<16xf32>, vector<16xf32>, vector<16xf32>, vector<16xf32>, vector<16xf32>, vector<16xf32>, vector<16xf32>, vector<16xf32>, vector<16xf32>, vector<16xf32>)  : i32 {
      %mul3A_333 = arith.constant 256 : i32
      %mul3A_334 = arith.muli %scan3A_316, %mul3A_333 : i32
      %add3A_335 = arith.constant 0 : i32
      %add3A_336 = arith.addi %mul3A_334, %add3A_335 : i32
      %get3A = arith.index_cast %add3A_336 : i32 to index
      %get3A_337 = tpu.vector_load %arg5[%get3A] {strides = array<i32>} : memref<8192xf32, #tpu.memory_space<vmem>>, vector<16xf32>,
      %add3A_338 = arith.addf %scan3A_317, %get3A_337 : vector<16xf32>
      %add3A_339 = arith.constant 16 : i32
      %add3A_340 = arith.addi %mul3A_334, %add3A_339 : i32
      %get3A_341 = arith.index_cast %add3A_340 : i32 to index
      %get3A_342 = tpu.vector_load %arg5[%get3A_341] {strides = array<i32>} : memref<8192xf32, #tpu.memory_space<vmem>>, vector<16xf32>,
      %add3A_343 = arith.addf %scan3A_318, %get3A_342 : vector<16xf32>
      %add3A_344 = arith.constant 32 : i32
      %add3A_345 = arith.addi %mul3A_334, %add3A_344 : i32
      %get3A_346 = arith.index_cast %add3A_345 : i32 to index
      %get3A_347 = tpu.vector_load %arg5[%get3A_346] {strides = array<i32>} : memref<8192xf32, #tpu.memory_space<vmem>>, vector<16xf32>,
      %add3A_348 = arith.addf %scan3A_319, %get3A_347 : vector<16xf32>
      %add3A_349 = arith.constant 48 : i32
      %add3A_350 = arith.addi %mul3A_334, %add3A_349 : i32
      %get3A_351 = arith.index_cast %add3A_350 : i32 to index
      %get3A_352 = tpu.vector_load %arg5[%get3A_351] {strides = array<i32>} : memref<8192xf32, #tpu.memory_space<vmem>>, vector<16xf32>,
      %add3A_353 = arith.addf %scan3A_320, %get3A_352 : vector<16xf32>
      %add3A_354 = arith.constant 64 : i32
      %add3A_355 = arith.addi %mul3A_334, %add3A_354 : i32
      %get3A_356 = arith.index_cast %add3A_355 : i32 to index
      %get3A_357 = tpu.vector_load %arg5[%get3A_356] {strides = array<i32>} : memref<8192xf32, #tpu.memory_space<vmem>>, vector<16xf32>,
      %add3A_358 = arith.addf %scan3A_321, %get3A_357 : vector<16xf32>
      %add3A_359 = arith.constant 80 : i32
      %add3A_360 = arith.addi %mul3A_334, %add3A_359 : i32
      %get3A_361 = arith.index_cast %add3A_360 : i32 to index
      %get3A_362 = tpu.vector_load %arg5[%get3A_361] {strides = array<i32>} : memref<8192xf32, #tpu.memory_space<vmem>>, vector<16xf32>,
      %add3A_363 = arith.addf %scan3A_322, %get3A_362 : vector<16xf32>
      %add3A_364 = arith.constant 96 : i32
      %add3A_365 = arith.addi %mul3A_334, %add3A_364 : i32
      %get3A_366 = arith.index_cast %add3A_365 : i32 to index
      %get3A_367 = tpu.vector_load %arg5[%get3A_366] {strides = array<i32>} : memref<8192xf32, #tpu.memory_space<vmem>>, vector<16xf32>,
      %add3A_368 = arith.addf %scan3A_323, %get3A_367 : vector<16xf32>
      %add3A_369 = arith.constant 112 : i32
      %add3A_370 = arith.addi %mul3A_334, %add3A_369 : i32
      %get3A_371 = arith.index_cast %add3A_370 : i32 to index
      %get3A_372 = tpu.vector_load %arg5[%get3A_371] {strides = array<i32>} : memref<8192xf32, #tpu.memory_space<vmem>>, vector<16xf32>,
      %add3A_373 = arith.addf %scan3A_324, %get3A_372 : vector<16xf32>
      %add3A_374 = arith.constant 128 : i32
      %add3A_375 = arith.addi %mul3A_334, %add3A_374 : i32
      %get3A_376 = arith.index_cast %add3A_375 : i32 to index
      %get3A_377 = tpu.vector_load %arg5[%get3A_376] {strides = array<i32>} : memref<8192xf32, #tpu.memory_space<vmem>>, vector<16xf32>,
      %add3A_378 = arith.addf %scan3A_325, %get3A_377 : vector<16xf32>
      %add3A_379 = arith.constant 144 : i32
      %add3A_380 = arith.addi %mul3A_334, %add3A_379 : i32
      %get3A_381 = arith.index_cast %add3A_380 : i32 to index
      %get3A_382 = tpu.vector_load %arg5[%get3A_381] {strides = array<i32>} : memref<8192xf32, #tpu.memory_space<vmem>>, vector<16xf32>,
      %add3A_383 = arith.addf %scan3A_326, %get3A_382 : vector<16xf32>
      %add3A_384 = arith.constant 160 : i32
      %add3A_385 = arith.addi %mul3A_334, %add3A_384 : i32
      %get3A_386 = arith.index_cast %add3A_385 : i32 to index
      %get3A_387 = tpu.vector_load %arg5[%get3A_386] {strides = array<i32>} : memref<8192xf32, #tpu.memory_space<vmem>>, vector<16xf32>,
      %add3A_388 = arith.addf %scan3A_327, %get3A_387 : vector<16xf32>
      %add3A_389 = arith.constant 176 : i32
      %add3A_390 = arith.addi %mul3A_334, %add3A_389 : i32
      %get3A_391 = arith.index_cast %add3A_390 : i32 to index
      %get3A_392 = tpu.vector_load %arg5[%get3A_391] {strides = array<i32>} : memref<8192xf32, #tpu.memory_space<vmem>>, vector<16xf32>,
      %add3A_393 = arith.addf %scan3A_328, %get3A_392 : vector<16xf32>
      %add3A_394 = arith.constant 192 : i32
      %add3A_395 = arith.addi %mul3A_334, %add3A_394 : i32
      %get3A_396 = arith.index_cast %add3A_395 : i32 to index
      %get3A_397 = tpu.vector_load %arg5[%get3A_396] {strides = array<i32>} : memref<8192xf32, #tpu.memory_space<vmem>>, vector<16xf32>,
      %add3A_398 = arith.addf %scan3A_329, %get3A_397 : vector<16xf32>
      %add3A_399 = arith.constant 208 : i32
      %add3A_400 = arith.addi %mul3A_334, %add3A_399 : i32
      %get3A_401 = arith.index_cast %add3A_400 : i32 to index
      %get3A_402 = tpu.vector_load %arg5[%get3A_401] {strides = array<i32>} : memref<8192xf32, #tpu.memory_space<vmem>>, vector<16xf32>,
      %add3A_403 = arith.addf %scan3A_330, %get3A_402 : vector<16xf32>
      %add3A_404 = arith.constant 224 : i32
      %add3A_405 = arith.addi %mul3A_334, %add3A_404 : i32
      %get3A_406 = arith.index_cast %add3A_405 : i32 to index
      %get3A_407 = tpu.vector_load %arg5[%get3A_406] {strides = array<i32>} : memref<8192xf32, #tpu.memory_space<vmem>>, vector<16xf32>,
      %add3A_408 = arith.addf %scan3A_331, %get3A_407 : vector<16xf32>
      %add3A_409 = arith.constant 240 : i32
      %add3A_410 = arith.addi %mul3A_334, %add3A_409 : i32
      %get3A_411 = arith.index_cast %add3A_410 : i32 to index
      %get3A_412 = tpu.vector_load %arg5[%get3A_411] {strides = array<i32>} : memref<8192xf32, #tpu.memory_space<vmem>>, vector<16xf32>,
      %add3A_413 = arith.addf %scan3A_332, %get3A_412 : vector<16xf32>
      scf.yield %add3A_338, %add3A_343, %add3A_348, %add3A_353, %add3A_358, %add3A_363, %add3A_368, %add3A_373, %add3A_378, %add3A_383, %add3A_388, %add3A_393, %add3A_398, %add3A_403, %add3A_408, %add3A_413 : vector<16xf32>, vector<16xf32>, vector<16xf32>, vector<16xf32>, vector<16xf32>, vector<16xf32>, vector<16xf32>, vector<16xf32>, vector<16xf32>, vector<16xf32>, vector<16xf32>, vector<16xf32>, vector<16xf32>, vector<16xf32>, vector<16xf32>, vector<16xf32>
    }
    %scan3A_99 = arith.constant 32 : i32
    %add3A_100 = arith.addf %scan3A_98#0, %scan3A_98#1 : vector<16xf32>
    %add3A_101 = arith.addf %add3A_100, %scan3A_98#2 : vector<16xf32>
    %add3A_102 = arith.addf %add3A_101, %scan3A_98#3 : vector<16xf32>
    %add3A_103 = arith.addf %add3A_102, %scan3A_98#4 : vector<16xf32>
    %add3A_104 = arith.addf %add3A_103, %scan3A_98#5 : vector<16xf32>
    %add3A_105 = arith.addf %add3A_104, %scan3A_98#6 : vector<16xf32>
    %add3A_106 = arith.addf %add3A_105, %scan3A_98#7 : vector<16xf32>
    %add3A_107 = arith.addf %add3A_106, %scan3A_98#8 : vector<16xf32>
    %add3A_108 = arith.addf %add3A_107, %scan3A_98#9 : vector<16xf32>
    %add3A_109 = arith.addf %add3A_108, %scan3A_98#10 : vector<16xf32>
    %add3A_110 = arith.addf %add3A_109, %scan3A_98#11 : vector<16xf32>
    %add3A_111 = arith.addf %add3A_110, %scan3A_98#12 : vector<16xf32>
    %add3A_112 = arith.addf %add3A_111, %scan3A_98#13 : vector<16xf32>
    %add3A_113 = arith.addf %add3A_112, %scan3A_98#14 : vector<16xf32>
    %add3A_114 = arith.addf %add3A_113, %scan3A_98#15 : vector<16xf32>
    %add3A_115 = arith.constant 0 : i32
    %add3A_116 = arith.addi %sub3A_21, %add3A_115 : i32
    %broadcast_in_dim3A_117 = vector.broadcast %add3A_116 : i32 to vector<16xi32>
    %gather3A = tpu.vector_load_idx %arg9[%broadcast_in_dim3A_117] : memref<16xf32, #tpu.memory_space<vmem>>[vector<16xi32>], vector<16xf32>,
    %mul3A_118 = arith.mulf %gather3A, %add3A_114 : vector<16xf32>
    %add3A_119 = arith.addf %broadcast_in_dim3A_55, %mul3A_118 : vector<16xf32>
    %dma_wait3A_120 = arith.constant 0 : i32
    %dma_wait3A_121 = tpu.memref_slice %arg2[%add3A_30, %dma_wait3A_120] : memref<128x8192xf32, #tpu.memory_space<hbm>> -> memref<1x8192xf32, #tpu.memory_space<hbm>>
    %dma_wait3A_122 = tpu.memref_squeeze %dma_wait3A_121 : memref<1x8192xf32, #tpu.memory_space<hbm>> -> memref<8192xf32, #tpu.memory_space<hbm>>
    %dma_wait3A_123 = arith.constant 0 : i32
    %dma_wait3A_124 = tpu.memref_slice %arg2[%add3A_30, %dma_wait3A_123] : memref<128x8192xf32, #tpu.memory_space<hbm>> -> memref<1x8192xf32, #tpu.memory_space<hbm>>
    %dma_wait3A_125 = tpu.memref_squeeze %dma_wait3A_124 : memref<1x8192xf32, #tpu.memory_space<hbm>> -> memref<8192xf32, #tpu.memory_space<hbm>>
    tpu.wait_dma2 semaphore(%arg12 : memref<!tpu.dma_semaphore, #tpu.memory_space<semaphore_mem>>) src(%dma_wait3A_125 : memref<8192xf32, #tpu.memory_space<hbm>>) dst(%arg6 : memref<8192xf32, #tpu.memory_space<vmem>>)
    %broadcast_in_dim3A_126 = arith.constant 0.000000e+00 : f32
    %broadcast_in_dim3A_127 = vector.broadcast %broadcast_in_dim3A_126 : f32 to vector<16xf32>
    %broadcast_in_dim3A_128 = arith.constant 0.000000e+00 : f32
    %broadcast_in_dim3A_129 = vector.broadcast %broadcast_in_dim3A_128 : f32 to vector<16xf32>
    %broadcast_in_dim3A_130 = arith.constant 0.000000e+00 : f32
    %broadcast_in_dim3A_131 = vector.broadcast %broadcast_in_dim3A_130 : f32 to vector<16xf32>
    %broadcast_in_dim3A_132 = arith.constant 0.000000e+00 : f32
    %broadcast_in_dim3A_133 = vector.broadcast %broadcast_in_dim3A_132 : f32 to vector<16xf32>
    %broadcast_in_dim3A_134 = arith.constant 0.000000e+00 : f32
    %broadcast_in_dim3A_135 = vector.broadcast %broadcast_in_dim3A_134 : f32 to vector<16xf32>
    %broadcast_in_dim3A_136 = arith.constant 0.000000e+00 : f32
    %broadcast_in_dim3A_137 = vector.broadcast %broadcast_in_dim3A_136 : f32 to vector<16xf32>
    %broadcast_in_dim3A_138 = arith.constant 0.000000e+00 : f32
    %broadcast_in_dim3A_139 = vector.broadcast %broadcast_in_dim3A_138 : f32 to vector<16xf32>
    %broadcast_in_dim3A_140 = arith.constant 0.000000e+00 : f32
    %broadcast_in_dim3A_141 = vector.broadcast %broadcast_in_dim3A_140 : f32 to vector<16xf32>
    %broadcast_in_dim3A_142 = arith.constant 0.000000e+00 : f32
    %broadcast_in_dim3A_143 = vector.broadcast %broadcast_in_dim3A_142 : f32 to vector<16xf32>
    %broadcast_in_dim3A_144 = arith.constant 0.000000e+00 : f32
    %broadcast_in_dim3A_145 = vector.broadcast %broadcast_in_dim3A_144 : f32 to vector<16xf32>
    %broadcast_in_dim3A_146 = arith.constant 0.000000e+00 : f32
    %broadcast_in_dim3A_147 = vector.broadcast %broadcast_in_dim3A_146 : f32 to vector<16xf32>
    %broadcast_in_dim3A_148 = arith.constant 0.000000e+00 : f32
    %broadcast_in_dim3A_149 = vector.broadcast %broadcast_in_dim3A_148 : f32 to vector<16xf32>
    %broadcast_in_dim3A_150 = arith.constant 0.000000e+00 : f32
    %broadcast_in_dim3A_151 = vector.broadcast %broadcast_in_dim3A_150 : f32 to vector<16xf32>
    %broadcast_in_dim3A_152 = arith.constant 0.000000e+00 : f32
    %broadcast_in_dim3A_153 = vector.broadcast %broadcast_in_dim3A_152 : f32 to vector<16xf32>
    %broadcast_in_dim3A_154 = arith.constant 0.000000e+00 : f32
    %broadcast_in_dim3A_155 = vector.broadcast %broadcast_in_dim3A_154 : f32 to vector<16xf32>
    %broadcast_in_dim3A_156 = arith.constant 0.000000e+00 : f32
    %broadcast_in_dim3A_157 = vector.broadcast %broadcast_in_dim3A_156 : f32 to vector<16xf32>
    %scan3A_158 = arith.constant 0 : i32
    %scan3A_159 = arith.constant 32 : i32
    %scan3A_160 = arith.addi %scan3A_158, %scan3A_159 : i32
    %scan3A_161 = arith.constant 1 : i32
    %scan3A_162:16 = scf.for %scan3A_316 = %scan3A_158 to %scan3A_160 step %scan3A_161 iter_args(%scan3A_317 = %broadcast_in_dim3A_127, %scan3A_318 = %broadcast_in_dim3A_129, %scan3A_319 = %broadcast_in_dim3A_131, %scan3A_320 = %broadcast_in_dim3A_133, %scan3A_321 = %broadcast_in_dim3A_135, %scan3A_322 = %broadcast_in_dim3A_137, %scan3A_323 = %broadcast_in_dim3A_139, %scan3A_324 = %broadcast_in_dim3A_141, %scan3A_325 = %broadcast_in_dim3A_143, %scan3A_326 = %broadcast_in_dim3A_145, %scan3A_327 = %broadcast_in_dim3A_147, %scan3A_328 = %broadcast_in_dim3A_149, %scan3A_329 = %broadcast_in_dim3A_151, %scan3A_330 = %broadcast_in_dim3A_153, %scan3A_331 = %broadcast_in_dim3A_155, %scan3A_332 = %broadcast_in_dim3A_157) -> (vector<16xf32>, vector<16xf32>, vector<16xf32>, vector<16xf32>, vector<16xf32>, vector<16xf32>, vector<16xf32>, vector<16xf32>, vector<16xf32>, vector<16xf32>, vector<16xf32>, vector<16xf32>, vector<16xf32>, vector<16xf32>, vector<16xf32>, vector<16xf32>)  : i32 {
      %mul3A_333 = arith.constant 256 : i32
      %mul3A_334 = arith.muli %scan3A_316, %mul3A_333 : i32
      %add3A_335 = arith.constant 0 : i32
      %add3A_336 = arith.addi %mul3A_334, %add3A_335 : i32
      %get3A = arith.index_cast %add3A_336 : i32 to index
      %get3A_337 = tpu.vector_load %arg6[%get3A] {strides = array<i32>} : memref<8192xf32, #tpu.memory_space<vmem>>, vector<16xf32>,
      %add3A_338 = arith.addf %scan3A_317, %get3A_337 : vector<16xf32>
      %add3A_339 = arith.constant 16 : i32
      %add3A_340 = arith.addi %mul3A_334, %add3A_339 : i32
      %get3A_341 = arith.index_cast %add3A_340 : i32 to index
      %get3A_342 = tpu.vector_load %arg6[%get3A_341] {strides = array<i32>} : memref<8192xf32, #tpu.memory_space<vmem>>, vector<16xf32>,
      %add3A_343 = arith.addf %scan3A_318, %get3A_342 : vector<16xf32>
      %add3A_344 = arith.constant 32 : i32
      %add3A_345 = arith.addi %mul3A_334, %add3A_344 : i32
      %get3A_346 = arith.index_cast %add3A_345 : i32 to index
      %get3A_347 = tpu.vector_load %arg6[%get3A_346] {strides = array<i32>} : memref<8192xf32, #tpu.memory_space<vmem>>, vector<16xf32>,
      %add3A_348 = arith.addf %scan3A_319, %get3A_347 : vector<16xf32>
      %add3A_349 = arith.constant 48 : i32
      %add3A_350 = arith.addi %mul3A_334, %add3A_349 : i32
      %get3A_351 = arith.index_cast %add3A_350 : i32 to index
      %get3A_352 = tpu.vector_load %arg6[%get3A_351] {strides = array<i32>} : memref<8192xf32, #tpu.memory_space<vmem>>, vector<16xf32>,
      %add3A_353 = arith.addf %scan3A_320, %get3A_352 : vector<16xf32>
      %add3A_354 = arith.constant 64 : i32
      %add3A_355 = arith.addi %mul3A_334, %add3A_354 : i32
      %get3A_356 = arith.index_cast %add3A_355 : i32 to index
      %get3A_357 = tpu.vector_load %arg6[%get3A_356] {strides = array<i32>} : memref<8192xf32, #tpu.memory_space<vmem>>, vector<16xf32>,
      %add3A_358 = arith.addf %scan3A_321, %get3A_357 : vector<16xf32>
      %add3A_359 = arith.constant 80 : i32
      %add3A_360 = arith.addi %mul3A_334, %add3A_359 : i32
      %get3A_361 = arith.index_cast %add3A_360 : i32 to index
      %get3A_362 = tpu.vector_load %arg6[%get3A_361] {strides = array<i32>} : memref<8192xf32, #tpu.memory_space<vmem>>, vector<16xf32>,
      %add3A_363 = arith.addf %scan3A_322, %get3A_362 : vector<16xf32>
      %add3A_364 = arith.constant 96 : i32
      %add3A_365 = arith.addi %mul3A_334, %add3A_364 : i32
      %get3A_366 = arith.index_cast %add3A_365 : i32 to index
      %get3A_367 = tpu.vector_load %arg6[%get3A_366] {strides = array<i32>} : memref<8192xf32, #tpu.memory_space<vmem>>, vector<16xf32>,
      %add3A_368 = arith.addf %scan3A_323, %get3A_367 : vector<16xf32>
      %add3A_369 = arith.constant 112 : i32
      %add3A_370 = arith.addi %mul3A_334, %add3A_369 : i32
      %get3A_371 = arith.index_cast %add3A_370 : i32 to index
      %get3A_372 = tpu.vector_load %arg6[%get3A_371] {strides = array<i32>} : memref<8192xf32, #tpu.memory_space<vmem>>, vector<16xf32>,
      %add3A_373 = arith.addf %scan3A_324, %get3A_372 : vector<16xf32>
      %add3A_374 = arith.constant 128 : i32
      %add3A_375 = arith.addi %mul3A_334, %add3A_374 : i32
      %get3A_376 = arith.index_cast %add3A_375 : i32 to index
      %get3A_377 = tpu.vector_load %arg6[%get3A_376] {strides = array<i32>} : memref<8192xf32, #tpu.memory_space<vmem>>, vector<16xf32>,
      %add3A_378 = arith.addf %scan3A_325, %get3A_377 : vector<16xf32>
      %add3A_379 = arith.constant 144 : i32
      %add3A_380 = arith.addi %mul3A_334, %add3A_379 : i32
      %get3A_381 = arith.index_cast %add3A_380 : i32 to index
      %get3A_382 = tpu.vector_load %arg6[%get3A_381] {strides = array<i32>} : memref<8192xf32, #tpu.memory_space<vmem>>, vector<16xf32>,
      %add3A_383 = arith.addf %scan3A_326, %get3A_382 : vector<16xf32>
      %add3A_384 = arith.constant 160 : i32
      %add3A_385 = arith.addi %mul3A_334, %add3A_384 : i32
      %get3A_386 = arith.index_cast %add3A_385 : i32 to index
      %get3A_387 = tpu.vector_load %arg6[%get3A_386] {strides = array<i32>} : memref<8192xf32, #tpu.memory_space<vmem>>, vector<16xf32>,
      %add3A_388 = arith.addf %scan3A_327, %get3A_387 : vector<16xf32>
      %add3A_389 = arith.constant 176 : i32
      %add3A_390 = arith.addi %mul3A_334, %add3A_389 : i32
      %get3A_391 = arith.index_cast %add3A_390 : i32 to index
      %get3A_392 = tpu.vector_load %arg6[%get3A_391] {strides = array<i32>} : memref<8192xf32, #tpu.memory_space<vmem>>, vector<16xf32>,
      %add3A_393 = arith.addf %scan3A_328, %get3A_392 : vector<16xf32>
      %add3A_394 = arith.constant 192 : i32
      %add3A_395 = arith.addi %mul3A_334, %add3A_394 : i32
      %get3A_396 = arith.index_cast %add3A_395 : i32 to index
      %get3A_397 = tpu.vector_load %arg6[%get3A_396] {strides = array<i32>} : memref<8192xf32, #tpu.memory_space<vmem>>, vector<16xf32>,
      %add3A_398 = arith.addf %scan3A_329, %get3A_397 : vector<16xf32>
      %add3A_399 = arith.constant 208 : i32
      %add3A_400 = arith.addi %mul3A_334, %add3A_399 : i32
      %get3A_401 = arith.index_cast %add3A_400 : i32 to index
      %get3A_402 = tpu.vector_load %arg6[%get3A_401] {strides = array<i32>} : memref<8192xf32, #tpu.memory_space<vmem>>, vector<16xf32>,
      %add3A_403 = arith.addf %scan3A_330, %get3A_402 : vector<16xf32>
      %add3A_404 = arith.constant 224 : i32
      %add3A_405 = arith.addi %mul3A_334, %add3A_404 : i32
      %get3A_406 = arith.index_cast %add3A_405 : i32 to index
      %get3A_407 = tpu.vector_load %arg6[%get3A_406] {strides = array<i32>} : memref<8192xf32, #tpu.memory_space<vmem>>, vector<16xf32>,
      %add3A_408 = arith.addf %scan3A_331, %get3A_407 : vector<16xf32>
      %add3A_409 = arith.constant 240 : i32
      %add3A_410 = arith.addi %mul3A_334, %add3A_409 : i32
      %get3A_411 = arith.index_cast %add3A_410 : i32 to index
      %get3A_412 = tpu.vector_load %arg6[%get3A_411] {strides = array<i32>} : memref<8192xf32, #tpu.memory_space<vmem>>, vector<16xf32>,
      %add3A_413 = arith.addf %scan3A_332, %get3A_412 : vector<16xf32>
      scf.yield %add3A_338, %add3A_343, %add3A_348, %add3A_353, %add3A_358, %add3A_363, %add3A_368, %add3A_373, %add3A_378, %add3A_383, %add3A_388, %add3A_393, %add3A_398, %add3A_403, %add3A_408, %add3A_413 : vector<16xf32>, vector<16xf32>, vector<16xf32>, vector<16xf32>, vector<16xf32>, vector<16xf32>, vector<16xf32>, vector<16xf32>, vector<16xf32>, vector<16xf32>, vector<16xf32>, vector<16xf32>, vector<16xf32>, vector<16xf32>, vector<16xf32>, vector<16xf32>
    }
    %scan3A_163 = arith.constant 32 : i32
    %add3A_164 = arith.addf %scan3A_162#0, %scan3A_162#1 : vector<16xf32>
    %add3A_165 = arith.addf %add3A_164, %scan3A_162#2 : vector<16xf32>
    %add3A_166 = arith.addf %add3A_165, %scan3A_162#3 : vector<16xf32>
    %add3A_167 = arith.addf %add3A_166, %scan3A_162#4 : vector<16xf32>
    %add3A_168 = arith.addf %add3A_167, %scan3A_162#5 : vector<16xf32>
    %add3A_169 = arith.addf %add3A_168, %scan3A_162#6 : vector<16xf32>
    %add3A_170 = arith.addf %add3A_169, %scan3A_162#7 : vector<16xf32>
    %add3A_171 = arith.addf %add3A_170, %scan3A_162#8 : vector<16xf32>
    %add3A_172 = arith.addf %add3A_171, %scan3A_162#9 : vector<16xf32>
    %add3A_173 = arith.addf %add3A_172, %scan3A_162#10 : vector<16xf32>
    %add3A_174 = arith.addf %add3A_173, %scan3A_162#11 : vector<16xf32>
    %add3A_175 = arith.addf %add3A_174, %scan3A_162#12 : vector<16xf32>
    %add3A_176 = arith.addf %add3A_175, %scan3A_162#13 : vector<16xf32>
    %add3A_177 = arith.addf %add3A_176, %scan3A_162#14 : vector<16xf32>
    %add3A_178 = arith.addf %add3A_177, %scan3A_162#15 : vector<16xf32>
    %add3A_179 = arith.constant 1 : i32
    %add3A_180 = arith.addi %sub3A_21, %add3A_179 : i32
    %broadcast_in_dim3A_181 = vector.broadcast %add3A_180 : i32 to vector<16xi32>
    %gather3A_182 = tpu.vector_load_idx %arg9[%broadcast_in_dim3A_181] : memref<16xf32, #tpu.memory_space<vmem>>[vector<16xi32>], vector<16xf32>,
    %mul3A_183 = arith.mulf %gather3A_182, %add3A_178 : vector<16xf32>
    %add3A_184 = arith.addf %add3A_119, %mul3A_183 : vector<16xf32>
    %dma_wait3A_185 = arith.constant 0 : i32
    %dma_wait3A_186 = tpu.memref_slice %arg2[%add3A_38, %dma_wait3A_185] : memref<128x8192xf32, #tpu.memory_space<hbm>> -> memref<1x8192xf32, #tpu.memory_space<hbm>>
    %dma_wait3A_187 = tpu.memref_squeeze %dma_wait3A_186 : memref<1x8192xf32, #tpu.memory_space<hbm>> -> memref<8192xf32, #tpu.memory_space<hbm>>
    %dma_wait3A_188 = arith.constant 0 : i32
    %dma_wait3A_189 = tpu.memref_slice %arg2[%add3A_38, %dma_wait3A_188] : memref<128x8192xf32, #tpu.memory_space<hbm>> -> memref<1x8192xf32, #tpu.memory_space<hbm>>
    %dma_wait3A_190 = tpu.memref_squeeze %dma_wait3A_189 : memref<1x8192xf32, #tpu.memory_space<hbm>> -> memref<8192xf32, #tpu.memory_space<hbm>>
    tpu.wait_dma2 semaphore(%arg13 : memref<!tpu.dma_semaphore, #tpu.memory_space<semaphore_mem>>) src(%dma_wait3A_190 : memref<8192xf32, #tpu.memory_space<hbm>>) dst(%arg7 : memref<8192xf32, #tpu.memory_space<vmem>>)
    %broadcast_in_dim3A_191 = arith.constant 0.000000e+00 : f32
    %broadcast_in_dim3A_192 = vector.broadcast %broadcast_in_dim3A_191 : f32 to vector<16xf32>
    %broadcast_in_dim3A_193 = arith.constant 0.000000e+00 : f32
    %broadcast_in_dim3A_194 = vector.broadcast %broadcast_in_dim3A_193 : f32 to vector<16xf32>
    %broadcast_in_dim3A_195 = arith.constant 0.000000e+00 : f32
    %broadcast_in_dim3A_196 = vector.broadcast %broadcast_in_dim3A_195 : f32 to vector<16xf32>
    %broadcast_in_dim3A_197 = arith.constant 0.000000e+00 : f32
    %broadcast_in_dim3A_198 = vector.broadcast %broadcast_in_dim3A_197 : f32 to vector<16xf32>
    %broadcast_in_dim3A_199 = arith.constant 0.000000e+00 : f32
    %broadcast_in_dim3A_200 = vector.broadcast %broadcast_in_dim3A_199 : f32 to vector<16xf32>
    %broadcast_in_dim3A_201 = arith.constant 0.000000e+00 : f32
    %broadcast_in_dim3A_202 = vector.broadcast %broadcast_in_dim3A_201 : f32 to vector<16xf32>
    %broadcast_in_dim3A_203 = arith.constant 0.000000e+00 : f32
    %broadcast_in_dim3A_204 = vector.broadcast %broadcast_in_dim3A_203 : f32 to vector<16xf32>
    %broadcast_in_dim3A_205 = arith.constant 0.000000e+00 : f32
    %broadcast_in_dim3A_206 = vector.broadcast %broadcast_in_dim3A_205 : f32 to vector<16xf32>
    %broadcast_in_dim3A_207 = arith.constant 0.000000e+00 : f32
    %broadcast_in_dim3A_208 = vector.broadcast %broadcast_in_dim3A_207 : f32 to vector<16xf32>
    %broadcast_in_dim3A_209 = arith.constant 0.000000e+00 : f32
    %broadcast_in_dim3A_210 = vector.broadcast %broadcast_in_dim3A_209 : f32 to vector<16xf32>
    %broadcast_in_dim3A_211 = arith.constant 0.000000e+00 : f32
    %broadcast_in_dim3A_212 = vector.broadcast %broadcast_in_dim3A_211 : f32 to vector<16xf32>
    %broadcast_in_dim3A_213 = arith.constant 0.000000e+00 : f32
    %broadcast_in_dim3A_214 = vector.broadcast %broadcast_in_dim3A_213 : f32 to vector<16xf32>
    %broadcast_in_dim3A_215 = arith.constant 0.000000e+00 : f32
    %broadcast_in_dim3A_216 = vector.broadcast %broadcast_in_dim3A_215 : f32 to vector<16xf32>
    %broadcast_in_dim3A_217 = arith.constant 0.000000e+00 : f32
    %broadcast_in_dim3A_218 = vector.broadcast %broadcast_in_dim3A_217 : f32 to vector<16xf32>
    %broadcast_in_dim3A_219 = arith.constant 0.000000e+00 : f32
    %broadcast_in_dim3A_220 = vector.broadcast %broadcast_in_dim3A_219 : f32 to vector<16xf32>
    %broadcast_in_dim3A_221 = arith.constant 0.000000e+00 : f32
    %broadcast_in_dim3A_222 = vector.broadcast %broadcast_in_dim3A_221 : f32 to vector<16xf32>
    %scan3A_223 = arith.constant 0 : i32
    %scan3A_224 = arith.constant 32 : i32
    %scan3A_225 = arith.addi %scan3A_223, %scan3A_224 : i32
    %scan3A_226 = arith.constant 1 : i32
    %scan3A_227:16 = scf.for %scan3A_316 = %scan3A_223 to %scan3A_225 step %scan3A_226 iter_args(%scan3A_317 = %broadcast_in_dim3A_192, %scan3A_318 = %broadcast_in_dim3A_194, %scan3A_319 = %broadcast_in_dim3A_196, %scan3A_320 = %broadcast_in_dim3A_198, %scan3A_321 = %broadcast_in_dim3A_200, %scan3A_322 = %broadcast_in_dim3A_202, %scan3A_323 = %broadcast_in_dim3A_204, %scan3A_324 = %broadcast_in_dim3A_206, %scan3A_325 = %broadcast_in_dim3A_208, %scan3A_326 = %broadcast_in_dim3A_210, %scan3A_327 = %broadcast_in_dim3A_212, %scan3A_328 = %broadcast_in_dim3A_214, %scan3A_329 = %broadcast_in_dim3A_216, %scan3A_330 = %broadcast_in_dim3A_218, %scan3A_331 = %broadcast_in_dim3A_220, %scan3A_332 = %broadcast_in_dim3A_222) -> (vector<16xf32>, vector<16xf32>, vector<16xf32>, vector<16xf32>, vector<16xf32>, vector<16xf32>, vector<16xf32>, vector<16xf32>, vector<16xf32>, vector<16xf32>, vector<16xf32>, vector<16xf32>, vector<16xf32>, vector<16xf32>, vector<16xf32>, vector<16xf32>)  : i32 {
      %mul3A_333 = arith.constant 256 : i32
      %mul3A_334 = arith.muli %scan3A_316, %mul3A_333 : i32
      %add3A_335 = arith.constant 0 : i32
      %add3A_336 = arith.addi %mul3A_334, %add3A_335 : i32
      %get3A = arith.index_cast %add3A_336 : i32 to index
      %get3A_337 = tpu.vector_load %arg7[%get3A] {strides = array<i32>} : memref<8192xf32, #tpu.memory_space<vmem>>, vector<16xf32>,
      %add3A_338 = arith.addf %scan3A_317, %get3A_337 : vector<16xf32>
      %add3A_339 = arith.constant 16 : i32
      %add3A_340 = arith.addi %mul3A_334, %add3A_339 : i32
      %get3A_341 = arith.index_cast %add3A_340 : i32 to index
      %get3A_342 = tpu.vector_load %arg7[%get3A_341] {strides = array<i32>} : memref<8192xf32, #tpu.memory_space<vmem>>, vector<16xf32>,
      %add3A_343 = arith.addf %scan3A_318, %get3A_342 : vector<16xf32>
      %add3A_344 = arith.constant 32 : i32
      %add3A_345 = arith.addi %mul3A_334, %add3A_344 : i32
      %get3A_346 = arith.index_cast %add3A_345 : i32 to index
      %get3A_347 = tpu.vector_load %arg7[%get3A_346] {strides = array<i32>} : memref<8192xf32, #tpu.memory_space<vmem>>, vector<16xf32>,
      %add3A_348 = arith.addf %scan3A_319, %get3A_347 : vector<16xf32>
      %add3A_349 = arith.constant 48 : i32
      %add3A_350 = arith.addi %mul3A_334, %add3A_349 : i32
      %get3A_351 = arith.index_cast %add3A_350 : i32 to index
      %get3A_352 = tpu.vector_load %arg7[%get3A_351] {strides = array<i32>} : memref<8192xf32, #tpu.memory_space<vmem>>, vector<16xf32>,
      %add3A_353 = arith.addf %scan3A_320, %get3A_352 : vector<16xf32>
      %add3A_354 = arith.constant 64 : i32
      %add3A_355 = arith.addi %mul3A_334, %add3A_354 : i32
      %get3A_356 = arith.index_cast %add3A_355 : i32 to index
      %get3A_357 = tpu.vector_load %arg7[%get3A_356] {strides = array<i32>} : memref<8192xf32, #tpu.memory_space<vmem>>, vector<16xf32>,
      %add3A_358 = arith.addf %scan3A_321, %get3A_357 : vector<16xf32>
      %add3A_359 = arith.constant 80 : i32
      %add3A_360 = arith.addi %mul3A_334, %add3A_359 : i32
      %get3A_361 = arith.index_cast %add3A_360 : i32 to index
      %get3A_362 = tpu.vector_load %arg7[%get3A_361] {strides = array<i32>} : memref<8192xf32, #tpu.memory_space<vmem>>, vector<16xf32>,
      %add3A_363 = arith.addf %scan3A_322, %get3A_362 : vector<16xf32>
      %add3A_364 = arith.constant 96 : i32
      %add3A_365 = arith.addi %mul3A_334, %add3A_364 : i32
      %get3A_366 = arith.index_cast %add3A_365 : i32 to index
      %get3A_367 = tpu.vector_load %arg7[%get3A_366] {strides = array<i32>} : memref<8192xf32, #tpu.memory_space<vmem>>, vector<16xf32>,
      %add3A_368 = arith.addf %scan3A_323, %get3A_367 : vector<16xf32>
      %add3A_369 = arith.constant 112 : i32
      %add3A_370 = arith.addi %mul3A_334, %add3A_369 : i32
      %get3A_371 = arith.index_cast %add3A_370 : i32 to index
      %get3A_372 = tpu.vector_load %arg7[%get3A_371] {strides = array<i32>} : memref<8192xf32, #tpu.memory_space<vmem>>, vector<16xf32>,
      %add3A_373 = arith.addf %scan3A_324, %get3A_372 : vector<16xf32>
      %add3A_374 = arith.constant 128 : i32
      %add3A_375 = arith.addi %mul3A_334, %add3A_374 : i32
      %get3A_376 = arith.index_cast %add3A_375 : i32 to index
      %get3A_377 = tpu.vector_load %arg7[%get3A_376] {strides = array<i32>} : memref<8192xf32, #tpu.memory_space<vmem>>, vector<16xf32>,
      %add3A_378 = arith.addf %scan3A_325, %get3A_377 : vector<16xf32>
      %add3A_379 = arith.constant 144 : i32
      %add3A_380 = arith.addi %mul3A_334, %add3A_379 : i32
      %get3A_381 = arith.index_cast %add3A_380 : i32 to index
      %get3A_382 = tpu.vector_load %arg7[%get3A_381] {strides = array<i32>} : memref<8192xf32, #tpu.memory_space<vmem>>, vector<16xf32>,
      %add3A_383 = arith.addf %scan3A_326, %get3A_382 : vector<16xf32>
      %add3A_384 = arith.constant 160 : i32
      %add3A_385 = arith.addi %mul3A_334, %add3A_384 : i32
      %get3A_386 = arith.index_cast %add3A_385 : i32 to index
      %get3A_387 = tpu.vector_load %arg7[%get3A_386] {strides = array<i32>} : memref<8192xf32, #tpu.memory_space<vmem>>, vector<16xf32>,
      %add3A_388 = arith.addf %scan3A_327, %get3A_387 : vector<16xf32>
      %add3A_389 = arith.constant 176 : i32
      %add3A_390 = arith.addi %mul3A_334, %add3A_389 : i32
      %get3A_391 = arith.index_cast %add3A_390 : i32 to index
      %get3A_392 = tpu.vector_load %arg7[%get3A_391] {strides = array<i32>} : memref<8192xf32, #tpu.memory_space<vmem>>, vector<16xf32>,
      %add3A_393 = arith.addf %scan3A_328, %get3A_392 : vector<16xf32>
      %add3A_394 = arith.constant 192 : i32
      %add3A_395 = arith.addi %mul3A_334, %add3A_394 : i32
      %get3A_396 = arith.index_cast %add3A_395 : i32 to index
      %get3A_397 = tpu.vector_load %arg7[%get3A_396] {strides = array<i32>} : memref<8192xf32, #tpu.memory_space<vmem>>, vector<16xf32>,
      %add3A_398 = arith.addf %scan3A_329, %get3A_397 : vector<16xf32>
      %add3A_399 = arith.constant 208 : i32
      %add3A_400 = arith.addi %mul3A_334, %add3A_399 : i32
      %get3A_401 = arith.index_cast %add3A_400 : i32 to index
      %get3A_402 = tpu.vector_load %arg7[%get3A_401] {strides = array<i32>} : memref<8192xf32, #tpu.memory_space<vmem>>, vector<16xf32>,
      %add3A_403 = arith.addf %scan3A_330, %get3A_402 : vector<16xf32>
      %add3A_404 = arith.constant 224 : i32
      %add3A_405 = arith.addi %mul3A_334, %add3A_404 : i32
      %get3A_406 = arith.index_cast %add3A_405 : i32 to index
      %get3A_407 = tpu.vector_load %arg7[%get3A_406] {strides = array<i32>} : memref<8192xf32, #tpu.memory_space<vmem>>, vector<16xf32>,
      %add3A_408 = arith.addf %scan3A_331, %get3A_407 : vector<16xf32>
      %add3A_409 = arith.constant 240 : i32
      %add3A_410 = arith.addi %mul3A_334, %add3A_409 : i32
      %get3A_411 = arith.index_cast %add3A_410 : i32 to index
      %get3A_412 = tpu.vector_load %arg7[%get3A_411] {strides = array<i32>} : memref<8192xf32, #tpu.memory_space<vmem>>, vector<16xf32>,
      %add3A_413 = arith.addf %scan3A_332, %get3A_412 : vector<16xf32>
      scf.yield %add3A_338, %add3A_343, %add3A_348, %add3A_353, %add3A_358, %add3A_363, %add3A_368, %add3A_373, %add3A_378, %add3A_383, %add3A_388, %add3A_393, %add3A_398, %add3A_403, %add3A_408, %add3A_413 : vector<16xf32>, vector<16xf32>, vector<16xf32>, vector<16xf32>, vector<16xf32>, vector<16xf32>, vector<16xf32>, vector<16xf32>, vector<16xf32>, vector<16xf32>, vector<16xf32>, vector<16xf32>, vector<16xf32>, vector<16xf32>, vector<16xf32>, vector<16xf32>
    }
    %scan3A_228 = arith.constant 32 : i32
    %add3A_229 = arith.addf %scan3A_227#0, %scan3A_227#1 : vector<16xf32>
    %add3A_230 = arith.addf %add3A_229, %scan3A_227#2 : vector<16xf32>
    %add3A_231 = arith.addf %add3A_230, %scan3A_227#3 : vector<16xf32>
    %add3A_232 = arith.addf %add3A_231, %scan3A_227#4 : vector<16xf32>
    %add3A_233 = arith.addf %add3A_232, %scan3A_227#5 : vector<16xf32>
    %add3A_234 = arith.addf %add3A_233, %scan3A_227#6 : vector<16xf32>
    %add3A_235 = arith.addf %add3A_234, %scan3A_227#7 : vector<16xf32>
    %add3A_236 = arith.addf %add3A_235, %scan3A_227#8 : vector<16xf32>
    %add3A_237 = arith.addf %add3A_236, %scan3A_227#9 : vector<16xf32>
    %add3A_238 = arith.addf %add3A_237, %scan3A_227#10 : vector<16xf32>
    %add3A_239 = arith.addf %add3A_238, %scan3A_227#11 : vector<16xf32>
    %add3A_240 = arith.addf %add3A_239, %scan3A_227#12 : vector<16xf32>
    %add3A_241 = arith.addf %add3A_240, %scan3A_227#13 : vector<16xf32>
    %add3A_242 = arith.addf %add3A_241, %scan3A_227#14 : vector<16xf32>
    %add3A_243 = arith.addf %add3A_242, %scan3A_227#15 : vector<16xf32>
    %add3A_244 = arith.constant 2 : i32
    %add3A_245 = arith.addi %sub3A_21, %add3A_244 : i32
    %broadcast_in_dim3A_246 = vector.broadcast %add3A_245 : i32 to vector<16xi32>
    %gather3A_247 = tpu.vector_load_idx %arg9[%broadcast_in_dim3A_246] : memref<16xf32, #tpu.memory_space<vmem>>[vector<16xi32>], vector<16xf32>,
    %mul3A_248 = arith.mulf %gather3A_247, %add3A_243 : vector<16xf32>
    %add3A_249 = arith.addf %add3A_184, %mul3A_248 : vector<16xf32>
    %dma_wait3A_250 = arith.constant 0 : i32
    %dma_wait3A_251 = tpu.memref_slice %arg2[%add3A_46, %dma_wait3A_250] : memref<128x8192xf32, #tpu.memory_space<hbm>> -> memref<1x8192xf32, #tpu.memory_space<hbm>>
    %dma_wait3A_252 = tpu.memref_squeeze %dma_wait3A_251 : memref<1x8192xf32, #tpu.memory_space<hbm>> -> memref<8192xf32, #tpu.memory_space<hbm>>
    %dma_wait3A_253 = arith.constant 0 : i32
    %dma_wait3A_254 = tpu.memref_slice %arg2[%add3A_46, %dma_wait3A_253] : memref<128x8192xf32, #tpu.memory_space<hbm>> -> memref<1x8192xf32, #tpu.memory_space<hbm>>
    %dma_wait3A_255 = tpu.memref_squeeze %dma_wait3A_254 : memref<1x8192xf32, #tpu.memory_space<hbm>> -> memref<8192xf32, #tpu.memory_space<hbm>>
    tpu.wait_dma2 semaphore(%arg14 : memref<!tpu.dma_semaphore, #tpu.memory_space<semaphore_mem>>) src(%dma_wait3A_255 : memref<8192xf32, #tpu.memory_space<hbm>>) dst(%arg8 : memref<8192xf32, #tpu.memory_space<vmem>>)
    %broadcast_in_dim3A_256 = arith.constant 0.000000e+00 : f32
    %broadcast_in_dim3A_257 = vector.broadcast %broadcast_in_dim3A_256 : f32 to vector<16xf32>
    %broadcast_in_dim3A_258 = arith.constant 0.000000e+00 : f32
    %broadcast_in_dim3A_259 = vector.broadcast %broadcast_in_dim3A_258 : f32 to vector<16xf32>
    %broadcast_in_dim3A_260 = arith.constant 0.000000e+00 : f32
    %broadcast_in_dim3A_261 = vector.broadcast %broadcast_in_dim3A_260 : f32 to vector<16xf32>
    %broadcast_in_dim3A_262 = arith.constant 0.000000e+00 : f32
    %broadcast_in_dim3A_263 = vector.broadcast %broadcast_in_dim3A_262 : f32 to vector<16xf32>
    %broadcast_in_dim3A_264 = arith.constant 0.000000e+00 : f32
    %broadcast_in_dim3A_265 = vector.broadcast %broadcast_in_dim3A_264 : f32 to vector<16xf32>
    %broadcast_in_dim3A_266 = arith.constant 0.000000e+00 : f32
    %broadcast_in_dim3A_267 = vector.broadcast %broadcast_in_dim3A_266 : f32 to vector<16xf32>
    %broadcast_in_dim3A_268 = arith.constant 0.000000e+00 : f32
    %broadcast_in_dim3A_269 = vector.broadcast %broadcast_in_dim3A_268 : f32 to vector<16xf32>
    %broadcast_in_dim3A_270 = arith.constant 0.000000e+00 : f32
    %broadcast_in_dim3A_271 = vector.broadcast %broadcast_in_dim3A_270 : f32 to vector<16xf32>
    %broadcast_in_dim3A_272 = arith.constant 0.000000e+00 : f32
    %broadcast_in_dim3A_273 = vector.broadcast %broadcast_in_dim3A_272 : f32 to vector<16xf32>
    %broadcast_in_dim3A_274 = arith.constant 0.000000e+00 : f32
    %broadcast_in_dim3A_275 = vector.broadcast %broadcast_in_dim3A_274 : f32 to vector<16xf32>
    %broadcast_in_dim3A_276 = arith.constant 0.000000e+00 : f32
    %broadcast_in_dim3A_277 = vector.broadcast %broadcast_in_dim3A_276 : f32 to vector<16xf32>
    %broadcast_in_dim3A_278 = arith.constant 0.000000e+00 : f32
    %broadcast_in_dim3A_279 = vector.broadcast %broadcast_in_dim3A_278 : f32 to vector<16xf32>
    %broadcast_in_dim3A_280 = arith.constant 0.000000e+00 : f32
    %broadcast_in_dim3A_281 = vector.broadcast %broadcast_in_dim3A_280 : f32 to vector<16xf32>
    %broadcast_in_dim3A_282 = arith.constant 0.000000e+00 : f32
    %broadcast_in_dim3A_283 = vector.broadcast %broadcast_in_dim3A_282 : f32 to vector<16xf32>
    %broadcast_in_dim3A_284 = arith.constant 0.000000e+00 : f32
    %broadcast_in_dim3A_285 = vector.broadcast %broadcast_in_dim3A_284 : f32 to vector<16xf32>
    %broadcast_in_dim3A_286 = arith.constant 0.000000e+00 : f32
    %broadcast_in_dim3A_287 = vector.broadcast %broadcast_in_dim3A_286 : f32 to vector<16xf32>
    %scan3A_288 = arith.constant 0 : i32
    %scan3A_289 = arith.constant 32 : i32
    %scan3A_290 = arith.addi %scan3A_288, %scan3A_289 : i32
    %scan3A_291 = arith.constant 1 : i32
    %scan3A_292:16 = scf.for %scan3A_316 = %scan3A_288 to %scan3A_290 step %scan3A_291 iter_args(%scan3A_317 = %broadcast_in_dim3A_257, %scan3A_318 = %broadcast_in_dim3A_259, %scan3A_319 = %broadcast_in_dim3A_261, %scan3A_320 = %broadcast_in_dim3A_263, %scan3A_321 = %broadcast_in_dim3A_265, %scan3A_322 = %broadcast_in_dim3A_267, %scan3A_323 = %broadcast_in_dim3A_269, %scan3A_324 = %broadcast_in_dim3A_271, %scan3A_325 = %broadcast_in_dim3A_273, %scan3A_326 = %broadcast_in_dim3A_275, %scan3A_327 = %broadcast_in_dim3A_277, %scan3A_328 = %broadcast_in_dim3A_279, %scan3A_329 = %broadcast_in_dim3A_281, %scan3A_330 = %broadcast_in_dim3A_283, %scan3A_331 = %broadcast_in_dim3A_285, %scan3A_332 = %broadcast_in_dim3A_287) -> (vector<16xf32>, vector<16xf32>, vector<16xf32>, vector<16xf32>, vector<16xf32>, vector<16xf32>, vector<16xf32>, vector<16xf32>, vector<16xf32>, vector<16xf32>, vector<16xf32>, vector<16xf32>, vector<16xf32>, vector<16xf32>, vector<16xf32>, vector<16xf32>)  : i32 {
      %mul3A_333 = arith.constant 256 : i32
      %mul3A_334 = arith.muli %scan3A_316, %mul3A_333 : i32
      %add3A_335 = arith.constant 0 : i32
      %add3A_336 = arith.addi %mul3A_334, %add3A_335 : i32
      %get3A = arith.index_cast %add3A_336 : i32 to index
      %get3A_337 = tpu.vector_load %arg8[%get3A] {strides = array<i32>} : memref<8192xf32, #tpu.memory_space<vmem>>, vector<16xf32>,
      %add3A_338 = arith.addf %scan3A_317, %get3A_337 : vector<16xf32>
      %add3A_339 = arith.constant 16 : i32
      %add3A_340 = arith.addi %mul3A_334, %add3A_339 : i32
      %get3A_341 = arith.index_cast %add3A_340 : i32 to index
      %get3A_342 = tpu.vector_load %arg8[%get3A_341] {strides = array<i32>} : memref<8192xf32, #tpu.memory_space<vmem>>, vector<16xf32>,
      %add3A_343 = arith.addf %scan3A_318, %get3A_342 : vector<16xf32>
      %add3A_344 = arith.constant 32 : i32
      %add3A_345 = arith.addi %mul3A_334, %add3A_344 : i32
      %get3A_346 = arith.index_cast %add3A_345 : i32 to index
      %get3A_347 = tpu.vector_load %arg8[%get3A_346] {strides = array<i32>} : memref<8192xf32, #tpu.memory_space<vmem>>, vector<16xf32>,
      %add3A_348 = arith.addf %scan3A_319, %get3A_347 : vector<16xf32>
      %add3A_349 = arith.constant 48 : i32
      %add3A_350 = arith.addi %mul3A_334, %add3A_349 : i32
      %get3A_351 = arith.index_cast %add3A_350 : i32 to index
      %get3A_352 = tpu.vector_load %arg8[%get3A_351] {strides = array<i32>} : memref<8192xf32, #tpu.memory_space<vmem>>, vector<16xf32>,
      %add3A_353 = arith.addf %scan3A_320, %get3A_352 : vector<16xf32>
      %add3A_354 = arith.constant 64 : i32
      %add3A_355 = arith.addi %mul3A_334, %add3A_354 : i32
      %get3A_356 = arith.index_cast %add3A_355 : i32 to index
      %get3A_357 = tpu.vector_load %arg8[%get3A_356] {strides = array<i32>} : memref<8192xf32, #tpu.memory_space<vmem>>, vector<16xf32>,
      %add3A_358 = arith.addf %scan3A_321, %get3A_357 : vector<16xf32>
      %add3A_359 = arith.constant 80 : i32
      %add3A_360 = arith.addi %mul3A_334, %add3A_359 : i32
      %get3A_361 = arith.index_cast %add3A_360 : i32 to index
      %get3A_362 = tpu.vector_load %arg8[%get3A_361] {strides = array<i32>} : memref<8192xf32, #tpu.memory_space<vmem>>, vector<16xf32>,
      %add3A_363 = arith.addf %scan3A_322, %get3A_362 : vector<16xf32>
      %add3A_364 = arith.constant 96 : i32
      %add3A_365 = arith.addi %mul3A_334, %add3A_364 : i32
      %get3A_366 = arith.index_cast %add3A_365 : i32 to index
      %get3A_367 = tpu.vector_load %arg8[%get3A_366] {strides = array<i32>} : memref<8192xf32, #tpu.memory_space<vmem>>, vector<16xf32>,
      %add3A_368 = arith.addf %scan3A_323, %get3A_367 : vector<16xf32>
      %add3A_369 = arith.constant 112 : i32
      %add3A_370 = arith.addi %mul3A_334, %add3A_369 : i32
      %get3A_371 = arith.index_cast %add3A_370 : i32 to index
      %get3A_372 = tpu.vector_load %arg8[%get3A_371] {strides = array<i32>} : memref<8192xf32, #tpu.memory_space<vmem>>, vector<16xf32>,
      %add3A_373 = arith.addf %scan3A_324, %get3A_372 : vector<16xf32>
      %add3A_374 = arith.constant 128 : i32
      %add3A_375 = arith.addi %mul3A_334, %add3A_374 : i32
      %get3A_376 = arith.index_cast %add3A_375 : i32 to index
      %get3A_377 = tpu.vector_load %arg8[%get3A_376] {strides = array<i32>} : memref<8192xf32, #tpu.memory_space<vmem>>, vector<16xf32>,
      %add3A_378 = arith.addf %scan3A_325, %get3A_377 : vector<16xf32>
      %add3A_379 = arith.constant 144 : i32
      %add3A_380 = arith.addi %mul3A_334, %add3A_379 : i32
      %get3A_381 = arith.index_cast %add3A_380 : i32 to index
      %get3A_382 = tpu.vector_load %arg8[%get3A_381] {strides = array<i32>} : memref<8192xf32, #tpu.memory_space<vmem>>, vector<16xf32>,
      %add3A_383 = arith.addf %scan3A_326, %get3A_382 : vector<16xf32>
      %add3A_384 = arith.constant 160 : i32
      %add3A_385 = arith.addi %mul3A_334, %add3A_384 : i32
      %get3A_386 = arith.index_cast %add3A_385 : i32 to index
      %get3A_387 = tpu.vector_load %arg8[%get3A_386] {strides = array<i32>} : memref<8192xf32, #tpu.memory_space<vmem>>, vector<16xf32>,
      %add3A_388 = arith.addf %scan3A_327, %get3A_387 : vector<16xf32>
      %add3A_389 = arith.constant 176 : i32
      %add3A_390 = arith.addi %mul3A_334, %add3A_389 : i32
      %get3A_391 = arith.index_cast %add3A_390 : i32 to index
      %get3A_392 = tpu.vector_load %arg8[%get3A_391] {strides = array<i32>} : memref<8192xf32, #tpu.memory_space<vmem>>, vector<16xf32>,
      %add3A_393 = arith.addf %scan3A_328, %get3A_392 : vector<16xf32>
      %add3A_394 = arith.constant 192 : i32
      %add3A_395 = arith.addi %mul3A_334, %add3A_394 : i32
      %get3A_396 = arith.index_cast %add3A_395 : i32 to index
      %get3A_397 = tpu.vector_load %arg8[%get3A_396] {strides = array<i32>} : memref<8192xf32, #tpu.memory_space<vmem>>, vector<16xf32>,
      %add3A_398 = arith.addf %scan3A_329, %get3A_397 : vector<16xf32>
      %add3A_399 = arith.constant 208 : i32
      %add3A_400 = arith.addi %mul3A_334, %add3A_399 : i32
      %get3A_401 = arith.index_cast %add3A_400 : i32 to index
      %get3A_402 = tpu.vector_load %arg8[%get3A_401] {strides = array<i32>} : memref<8192xf32, #tpu.memory_space<vmem>>, vector<16xf32>,
      %add3A_403 = arith.addf %scan3A_330, %get3A_402 : vector<16xf32>
      %add3A_404 = arith.constant 224 : i32
      %add3A_405 = arith.addi %mul3A_334, %add3A_404 : i32
      %get3A_406 = arith.index_cast %add3A_405 : i32 to index
      %get3A_407 = tpu.vector_load %arg8[%get3A_406] {strides = array<i32>} : memref<8192xf32, #tpu.memory_space<vmem>>, vector<16xf32>,
      %add3A_408 = arith.addf %scan3A_331, %get3A_407 : vector<16xf32>
      %add3A_409 = arith.constant 240 : i32
      %add3A_410 = arith.addi %mul3A_334, %add3A_409 : i32
      %get3A_411 = arith.index_cast %add3A_410 : i32 to index
      %get3A_412 = tpu.vector_load %arg8[%get3A_411] {strides = array<i32>} : memref<8192xf32, #tpu.memory_space<vmem>>, vector<16xf32>,
      %add3A_413 = arith.addf %scan3A_332, %get3A_412 : vector<16xf32>
      scf.yield %add3A_338, %add3A_343, %add3A_348, %add3A_353, %add3A_358, %add3A_363, %add3A_368, %add3A_373, %add3A_378, %add3A_383, %add3A_388, %add3A_393, %add3A_398, %add3A_403, %add3A_408, %add3A_413 : vector<16xf32>, vector<16xf32>, vector<16xf32>, vector<16xf32>, vector<16xf32>, vector<16xf32>, vector<16xf32>, vector<16xf32>, vector<16xf32>, vector<16xf32>, vector<16xf32>, vector<16xf32>, vector<16xf32>, vector<16xf32>, vector<16xf32>, vector<16xf32>
    }
    %scan3A_293 = arith.constant 32 : i32
    %add3A_294 = arith.addf %scan3A_292#0, %scan3A_292#1 : vector<16xf32>
    %add3A_295 = arith.addf %add3A_294, %scan3A_292#2 : vector<16xf32>
    %add3A_296 = arith.addf %add3A_295, %scan3A_292#3 : vector<16xf32>
    %add3A_297 = arith.addf %add3A_296, %scan3A_292#4 : vector<16xf32>
    %add3A_298 = arith.addf %add3A_297, %scan3A_292#5 : vector<16xf32>
    %add3A_299 = arith.addf %add3A_298, %scan3A_292#6 : vector<16xf32>
    %add3A_300 = arith.addf %add3A_299, %scan3A_292#7 : vector<16xf32>
    %add3A_301 = arith.addf %add3A_300, %scan3A_292#8 : vector<16xf32>
    %add3A_302 = arith.addf %add3A_301, %scan3A_292#9 : vector<16xf32>
    %add3A_303 = arith.addf %add3A_302, %scan3A_292#10 : vector<16xf32>
    %add3A_304 = arith.addf %add3A_303, %scan3A_292#11 : vector<16xf32>
    %add3A_305 = arith.addf %add3A_304, %scan3A_292#12 : vector<16xf32>
    %add3A_306 = arith.addf %add3A_305, %scan3A_292#13 : vector<16xf32>
    %add3A_307 = arith.addf %add3A_306, %scan3A_292#14 : vector<16xf32>
    %add3A_308 = arith.addf %add3A_307, %scan3A_292#15 : vector<16xf32>
    %add3A_309 = arith.constant 3 : i32
    %add3A_310 = arith.addi %sub3A_21, %add3A_309 : i32
    %broadcast_in_dim3A_311 = vector.broadcast %add3A_310 : i32 to vector<16xi32>
    %gather3A_312 = tpu.vector_load_idx %arg9[%broadcast_in_dim3A_311] : memref<16xf32, #tpu.memory_space<vmem>>[vector<16xi32>], vector<16xf32>,
    %mul3A_313 = arith.mulf %gather3A_312, %add3A_308 : vector<16xf32>
    %add3A_314 = arith.addf %add3A_249, %mul3A_313 : vector<16xf32>
    %swap3A = arith.constant 0 : index
    %swap3A_315 = tpu.vector_load %arg10[%swap3A] {strides = array<i32>} : memref<16xf32, #tpu.memory_space<vmem>>, vector<16xf32>,
    tpu.vector_store %arg10[%swap3A], %add3A_314 {strides = array<i32>} : memref<16xf32, #tpu.memory_space<vmem>>, vector<16xf32>,
    "tpu.region"() ({
      %run_scoped3A = tpu.sem_alloc : memref<!tpu.dma_semaphore, #tpu.memory_space<semaphore_mem>>
      %dma_start3A_316 = arith.constant 0 : i32
      %dma_start3A_317 = tpu.memref_slice %arg4[%add3A, %dma_start3A_316] : memref<32x16xf32, #tpu.memory_space<hbm>> -> memref<1x16xf32, #tpu.memory_space<hbm>>
      %dma_start3A_318 = tpu.memref_squeeze %dma_start3A_317 : memref<1x16xf32, #tpu.memory_space<hbm>> -> memref<16xf32, #tpu.memory_space<hbm>>
      %dma_start3A_319 = arith.constant 0 : i32
      %dma_start3A_320 = tpu.memref_slice %arg4[%add3A, %dma_start3A_319] : memref<32x16xf32, #tpu.memory_space<hbm>> -> memref<1x16xf32, #tpu.memory_space<hbm>>
      %dma_start3A_321 = tpu.memref_squeeze %dma_start3A_320 : memref<1x16xf32, #tpu.memory_space<hbm>> -> memref<16xf32, #tpu.memory_space<hbm>>
      tpu.enqueue_dma source(%arg10 : memref<16xf32, #tpu.memory_space<vmem>>) target(%dma_start3A_321 : memref<16xf32, #tpu.memory_space<hbm>>) target_semaphore(%run_scoped3A : memref<!tpu.dma_semaphore, #tpu.memory_space<semaphore_mem>>)
      %dma_wait3A_322 = arith.constant 0 : i32
      %dma_wait3A_323 = tpu.memref_slice %arg4[%add3A, %dma_wait3A_322] : memref<32x16xf32, #tpu.memory_space<hbm>> -> memref<1x16xf32, #tpu.memory_space<hbm>>
      %dma_wait3A_324 = tpu.memref_squeeze %dma_wait3A_323 : memref<1x16xf32, #tpu.memory_space<hbm>> -> memref<16xf32, #tpu.memory_space<hbm>>
      %dma_wait3A_325 = arith.constant 0 : i32
      %dma_wait3A_326 = tpu.memref_slice %arg4[%add3A, %dma_wait3A_325] : memref<32x16xf32, #tpu.memory_space<hbm>> -> memref<1x16xf32, #tpu.memory_space<hbm>>
      %dma_wait3A_327 = tpu.memref_squeeze %dma_wait3A_326 : memref<1x16xf32, #tpu.memory_space<hbm>> -> memref<16xf32, #tpu.memory_space<hbm>>
      tpu.wait_dma2 semaphore(%run_scoped3A : memref<!tpu.dma_semaphore, #tpu.memory_space<semaphore_mem>>) src(%arg10 : memref<16xf32, #tpu.memory_space<vmem>>) dst(%dma_wait3A_327 : memref<16xf32, #tpu.memory_space<hbm>>)
      tpu.yield
    }) : () -> ()
    return
  }
}

</mosaic_0001>

<sc_bundles>
// kernel: kernel.3.cloned.1.call-start
scs
__scs_entry_jumppad:
0x0: {  	(pc) =	sbr.rel $0x88, $3  }
0x1: {  	(tag) =	ssettag $0x0;
	lr =	simm.s32 $0x1  }
0x2: {  	[smem:$0x3F9F] =	sst lr;
	_ =	strace $0xD0000000  }
0x3: {  	_ = 	snop  }
0x4: {  	_ = 	snop  }
0x5: {  	_ = 	snop  }
0x6: {  	_ = 	snop  }
0x7: {  	_ = 	snop  }
__scs_overlays_trampoline_lowered:
0x8: {  	[smem:$0x3FAE] =	sst s0  }
0x9: {  	[smem:$0x3FAF] =	sst s1  }
0xa: {  	[smem:$0x3FB0] =	sst s2  }
0xb: {  	[smem:$0x3FB1] =	sst s3  }
0xc: {  	[smem:$0x3FB2] =	sst s4  }
0xd: {  	[smem:$0x3FB3] =	sst s5  }
0xe: {  	[smem:$0x3FB4] =	sst s6  }
0xf: {  	[smem:$0x3FB5] =	sst s7  }
0x10: {  	[smem:$0x3FB6] =	sst s8  }
0x11: {  	[smem:$0x3FB7] =	sst s9;
	s0 =	simm.s32 @!p0 $0x0  }
0x12: {  	s1 =	sld [smem:$0x3F9D];
	s0 =	simm.s32 @p0 $0x1  }
0x13: {  	[smem:$0x3FB8] =	sst s0;
	s0 =	simm.s32 @!p1 $0x0  }
0x14: {  	s2 =	sld [smem:$0x3F9C];
	s0 =	simm.s32 @p1 $0x1  }
0x15: {  	[smem:$0x3FB9] =	sst s0;
	s0 =	simm.s32 @!p2 $0x0  }
0x16: {  	s3 =	sld [smem:$0x3FDB];
	s0 =	simm.s32 @p2 $0x1  }
0x17: {  	s4 =	simm.s32 $0x1BF5;
	[smem:$0x3FBB] =	sst s0  }
0x18: {  	s0 =	sld [smem:$0x3F9E];
	_ =	swait.ge [sflag:s4], $0x0  }
0x19: {  	s7 =	sld [smem:$0x3F9F]  }
0x1a: {  	s8 =	sadd.s32 $0xFFFFE003, lr  }
0x1b: {  	s9 =	sadd.s32 $0xFFFFFEF7, lr;
	s5 =	simm.s32 $0xFFFFFFFF;
	p2 =	slt.u32 s8, $0xFFFFF086  }
0x1c: {  	p1 =	slt.u32 s9, $0xF7A;
	s5 =	simm.s32 @!p2 $0x0  }
0x1d: {  	s5 =	simm.s32 @p1 $0x1;
	p0 =	seq.s32 s7, s2  }
0x1e: {  	s7 =	smul.u32 @!p0 $0xF7A, s2;
	p2 =	seq.s32 @!p0 s5, $0x0  }
0x1f: {  	s9 =	smul.u32 $0xF7A, s1;
	s8 =	simm.s32 @!p0 $0x1BF5;
	p2 =	por !p2, p0  }
0x20: {  	[sflag:s8] =	ssyncset.s32 @!p0 $0xFFFFF086;
	s6 =	sadd.s32 @!p0 s3, s7;
	s7 =	simm.s32 @!p0 $0x108  }
0x21: {  	s3 =	sadd.s32 s3, s9;
	s6 =	sadd.s32 @!p0 $0x88, s6;
	s7 =	simm.s32 @p2 $0x1082  }
0x22: {  	[simem:s7], [sflag:s8] =	dma.local @!p0 [hbm:s6], $0xF7A  }
0x23: {  	s9 =	sor.u32 $0xD0000000, s2;
	s6 =	simm.s32 $0x108;
	_ =	swait.ge @!p0 [sflag:s8], $0x0  }
0x24: {  	s3 =	sadd.s32 $0x88, s3;
	s6 =	simm.s32 @!p1 $0x1082;
	[sflag:s4] =	ssyncset.s32 $0xFFFFF086  }
0x25: {  	[simem:s6], [sflag:s4] =	dma.local [hbm:s3], $0xF7A  }
0x26: {  	[smem:$0x3F9F] =	sst s1;
	(tag) =	ssettag s2;
	_ =	strace s9  }
0x27: {  	s1 =	sld [smem:$0x3FAF]  }
0x28: {  	s2 =	sld [smem:$0x3FB0]  }
0x29: {  	s4 =	sld [smem:$0x3FB2]  }
0x2a: {  	p0 =	seq.s32 s5, $0x0;
	s5 =	sld [smem:$0x3FB3]  }
0x2b: {  	s6 =	sld [smem:$0x3FB4]  }
0x2c: {  	s7 =	sld [smem:$0x3FB5]  }
0x2d: {  	s3 =	simm.s32 $0x108;
	s8 =	sld [smem:$0x3FB6]  }
0x2e: {  	s3 =	simm.s32 @!p0 $0x1082;
	s9 =	sld [smem:$0x3FB7]  }
0x2f: {  	lr =	sadd.s32 s0, s3;
	s0 =	sld [smem:$0x3FAE]  }
0x30: {  	s3 =	sld [smem:$0x3FB1]  }
0x31: {  	[smem:$0x3FBA] =	sst s10  }
0x32: {  	s10 =	sld [smem:$0x3FB8];
	_ =	sdelay $0x3  }
0x33: {  	p0 =	seq.s32 s10, $0x1;
	s10 =	sld [smem:$0x3FBA];
	_ =	sdelay $0x3  }
0x34: {  	[smem:$0x3FBA] =	sst s10  }
0x35: {  	s10 =	sld [smem:$0x3FB9];
	_ =	sdelay $0x3  }
0x36: {  	p1 =	seq.s32 s10, $0x1;
	s10 =	sld [smem:$0x3FBA];
	_ =	sdelay $0x3  }
0x37: {  	[smem:$0x3FBA] =	sst s10  }
0x38: {  	s10 =	sld [smem:$0x3FBB]  }
0x39: {  	_ = 	snop;
	(pc) =	sbr.ind lr, $3  }
0x3a: {  	_ = 	snop  }
0x3b: {  	_ = 	snop  }
0x3c: {  	p2 =	seq.s32 s10, $0x1;
	s10 =	sld [smem:$0x3FBA]  }
0x3d: {  	_ =	shalt  }
0x3e: {  	_ =	shalt  }
0x3f: {  	_ =	shalt  }
0x40: {  	_ =	shalt  }
0x41: {  	_ =	shalt  }
0x42: {  	_ =	shalt  }
0x43: {  	_ =	shalt  }
0x44: {  	_ =	shalt  }
0x45: {  	_ =	shalt  }
0x46: {  	_ =	shalt  }
0x47: {  	_ =	shalt  }
0x48: {  	_ =	shalt  }
0x49: {  	_ =	shalt  }
0x4a: {  	_ =	shalt  }
0x4b: {  	_ =	shalt  }
0x4c: {  	_ =	shalt  }
0x4d: {  	_ =	shalt  }
0x4e: {  	_ =	shalt  }
0x4f: {  	_ =	shalt  }
0x50: {  	_ =	shalt  }
0x51: {  	_ =	shalt  }
0x52: {  	_ =	shalt  }
0x53: {  	_ =	shalt  }
0x54: {  	_ =	shalt  }
0x55: {  	_ =	shalt  }
0x56: {  	_ =	shalt  }
0x57: {  	_ =	shalt  }
0x58: {  	_ =	shalt  }
0x59: {  	_ =	shalt  }
0x5a: {  	_ =	shalt  }
0x5b: {  	_ =	shalt  }
0x5c: {  	_ =	shalt  }
0x5d: {  	_ =	shalt  }
0x5e: {  	_ =	shalt  }
0x5f: {  	_ =	shalt  }
0x60: {  	_ =	shalt  }
0x61: {  	_ =	shalt  }
0x62: {  	_ =	shalt  }
0x63: {  	_ =	shalt  }
0x64: {  	_ =	shalt  }
0x65: {  	_ =	shalt  }
0x66: {  	_ =	shalt  }
0x67: {  	_ =	shalt  }
0x68: {  	_ =	shalt  }
0x69: {  	_ =	shalt  }
0x6a: {  	_ =	shalt  }
0x6b: {  	_ =	shalt  }
0x6c: {  	_ =	shalt  }
0x6d: {  	_ =	shalt  }
0x6e: {  	_ =	shalt  }
0x6f: {  	_ =	shalt  }
0x70: {  	_ =	shalt  }
0x71: {  	_ =	shalt  }
0x72: {  	_ =	shalt  }
0x73: {  	_ =	shalt  }
0x74: {  	_ =	shalt  }
0x75: {  	_ =	shalt  }
0x76: {  	_ =	shalt  }
0x77: {  	_ =	shalt  }
0x78: {  	_ =	shalt  }
0x79: {  	_ =	shalt  }
0x7a: {  	_ =	shalt  }
0x7b: {  	_ =	shalt  }
0x7c: {  	_ =	shalt  }
0x7d: {  	_ =	shalt  }
0x7e: {  	_ =	shalt  }
0x7f: {  	_ =	shalt  }
0x80: {  	_ =	shalt  }
0x81: {  	_ =	shalt  }
0x82: {  	_ =	shalt  }
0x83: {  	_ =	shalt  }
0x84: {  	_ =	shalt  }
0x85: {  	_ =	shalt  }
0x86: {  	_ =	shalt  }
0x87: {  	_ =	shalt  }
.Lfunc_end0:
.L_simem_size_0:
called_computation_lowered:
.L_overlay_start_0:
0x88: {  	s2 =	sld [smem:$0x3FD9]  }
0x89: {  	s3 =	sld [smem:$0x3FFE];
	_ =	sdelay $0x1  }
0x8a: {  	s1 =	srdreg.scid  }
0x8b: {  	s0 =	sand.u32 $0x1, s1  }
0x8c: {  	s17 =	sshll.u32 s0, $0xA;
	s2 =	sadd.s32 s3, s2  }
0x8d: {  	s2 =	sadd.s32 s2, s17  }
0x8e: {  	[smem:$0x3FC6] =	sst s2  }
0x8f: {  	_ = 	snop  }
0x90: {  	s2 =	sld [smem:$0x3FC9]  }
0x91: {  	s18 =	sld [smem:$0x3FC8];
	(tm) =	ssettm $0x1  }
0x92: {  	s4 =	sld [smem:$0x3FFB];
	_ =	sdelay $0x3  }
0x93: {  	_ =	strace s4  }
0x94: {  	s4 =	sld [smem:$0x3FFC];
	_ =	sdelay $0x3  }
0x95: {  	_ =	strace s4  }
0x96: {  	s4 =	sld [smem:$0x3FFD];
	_ =	sdelay $0x3  }
0x97: {  	_ =	strace s4  }
0x98: {  	_ =	strace $0x8FFFFFFF  }
0x99: {  	s19 =	sld [smem:$0x3FDB];
	_ =	sdelay $0x1  }
0x9a: {  	s5 =	simm.s32 $_scs_section_size  }
0x9b: {  	s6 =	simm.s32 $_size__tile_overlayer_lowered;
	s7 =	simm.s32 $_tile_overlayer_lowered  }
0x9c: {  	s22 =	simm.s32 $0x1BFF;
	s21 =	sshll.u32 s7, $0x1;
	s4 =	sadd.s32 s5, s19  }
0x9d: {  	s8 =	simm.s32 $0x0;
	s20 =	sshll.u32 s6, $0x1;
	s6 =	sadd.s32 s21, s4  }
0x9e: {  	[timem:s8], [sflag:s22] =	dma.local [hbm:s6], s20  }
0x9f: {  	_ =	swait.ge [sflag:s22], s20  }
0xa0: {  	s5 =	ssub.s32 $0x0, s20;
	[sflag:s22] =	ssyncset.done $0x0  }
0xa1: {  	[sflag:s22] =	ssyncadd.s32 s5;
	_ =	sdelay $0x1  }
0xa2: {  	s23 =	simm.s32 $0x1B8B  }
0xa3: {  	_ =	swait.ge [sflag:s23], $0x1  }
0xa4: {  	[sflag:s23] =	ssyncset.done $0x0  }
0xa5: {  	s25 =	simm.s32 $0x1B8E;
	s24 =	sld [smem:$0x3FFE];
	[sflag:s23] =	ssyncadd.s32 $0xFFFFFFFF  }
0xa6: {  	s26 =	simm.s32 $execute0_lowered;
	[smem:$0x3FD2] =	sst s25  }
0xa7: {  	s6 =	sshll.u32 s26, $0x1;
	_ =	strace $0x80000046;
	[dreg:$0x1] =	wrdreg $0xFFFFFFFF  }
0xa8: {  	s28 =	simm.s32 $_size_execute0_lowered;
	s4 =	sadd.s32 s4, s6;
	[dreg:$0x0] =	wrdreg $0x0  }
0xa9: {  	s6 =	sshll.u32 s28, $0x1;
	[dreg:$0x2] =	wrdreg s4  }
0xaa: {  	[dreg:$0x3] =	wrdreg s6  }
0xab: {  	[dreg:$0x4] =	wrdreg $0xC0  }
0xac: {  	_ =	task [dreg:s8], $0x5FFFF  }
0xad: {  	[dreg:$0x1] =	wrdreg $0xFFFFFFFF  }
0xae: {  	[dreg:$0x0] =	wrdreg $0x60  }
0xaf: {  	[dreg:$0x2] =	wrdreg s2  }
0xb0: {  	[dreg:$0x3] =	wrdreg s18  }
0xb1: {  	[dreg:$0x4] =	wrdreg s24  }
0xb2: {  	[dreg:$0x5] =	wrdreg $0x9  }
0xb3: {  	_ =	task.clear_ibuf [dreg:s8], $0x6FFFF;
	_ =	strace $0x90000046  }
0xb4: {  	s29 =	simm.s32 $0x9;
	_ =	strace $0x80000048  }
0xb5: {  	_ =	swait.ge [sflag:s29], $0x1  }
0xb6: {  	[sflag:s29] =	ssyncadd.s32 $0xFFFFFFFF  }
0xb7: {  	_ =	strace $0x90000048  }
0xb8: {  	_ =	sfence  }
0xb9: {  	s30 =	sld [smem:$0x0];
	_ =	sdelay $0x2  }
0xba: {  	s31 =	sshll.u32 s1, $0xD;
	s1 =	sshrl.u32 s1, $0x2  }
0xbb: {  	s3 =	sand.u32 $0x4000, s31;
	s1 =	sadd.s32 s1, s30  }
0xbc: {  	s0 =	sor.u32 s3, s0;
	s1 =	sshll.u32 s1, $0x11  }
0xbd: {  	s0 =	sor.u32 s1, s0  }
0xbe: {  	s0 =	sadd.s32 $0x8F2B, s0  }
0xbf: {  	[sflag:s0] =	ssyncadd.remote.s32 $0x1  }
0xc0: {  	_ =	sfence.sel $0xFFFF  }
0xc1: {  	[dreg:$0x0] =	wrdreg $0xFFFFFFFF;
	(pc) =	sbr.abs _section_cstart, $3  }
0xc2: {  	[dreg:$0x1] =	wrdreg $0xFFFFFFFF  }
0xc3: {  	_ =	task.clear_ibuf [dreg:s8], $0x2FFFF;
	_ =	strace $0x9FFFFFFF  }
0xc4: {  	(tm) =	ssettm $0x7FFFFFFF  }
0xc5: {  	_ =	shalt  }
tec
execute0_lowered:
.L_overlay_start_1:
0x0: {  	(tag) =	ssettag $0x1  }
0x1: {  	s3 =	rddreg [dreg:$0x0]  }
0x2: {  	s8 =	rddreg [dreg:$0x1]  }
0x3: {  	s0 =	srdreg.scid;
	s9 =	rddreg [dreg:$0x2]  }
0x4: {  	s1 =	stileid.u32;
	s6 =	simm.s32 $0x1;
	s13 =	simm.s32 $0x2000  }
0x5: {  	s14 =	simm.s32 $0x4000;
	s16 =	simm.s32 $0x8000;
	s17 =	simm.s32 $0x5  }
0x6: {  	s20 =	simm.s32 $0x4;
	s22 =	simm.s32 $0x6;
	s23 =	simm.s32 $0x0  }
0x7: {  	s4 =	sand.u32 $0x1, s0;
	s0 =	rddreg [dreg:$0x3];
	s5 =	sand.u32 $0x3, s1  }
0x8: {  	s11 =	sshll.u32 s1, $0x6;
	s31 =	sshll.u32 s1, $0x4;
	s2 =	sshll.u32 s4, $0x4  }
0x9: {  	p1 =	sne.s32 s5, $0x0;
	s4 =	ssub.s32 $0x2, s4;
	s10 =	sor.u32 s1, s2  }
0xa: {  	s2 =	simm.s32 $0x0;
	s25 =	sshrl.u32 s4, $0x1;
	p0 =	seq.s32 s10, $0x0  }
0xb: {  	[smem:$0x7FF] =	sst s2;
	s7 =	sshll.u32 s10, $0xC;
	p0 =	por !p1, !p0  }
0xc: {  	s12 =	sshrl.u32 s10, $0x2;
	s26 =	ssub.s32 s4, s25;
	p0 =	por !p0, !p0  }
0xd: {  	s30 =	sshll.u32 s10, $0x2;
	s4 =	simm.s32 $0x1;
	s6 =	simm.s32 @!p0 $0x0  }
0xe: {  	s10 =	sshll.u32 s10, $0x4;
	_ =	strace $0x80000047;
	s28 =	ssub.s32 s12, s6  }
0xf: {  	s7 =	sor.u32 s11, s7;
	s10 =	sand.u32 $0x180, s10;
	s12 =	sshll.u32 s28, $0x4  }
0x10: {  	s11 =	simm.s32 $0x80;
	s29 =	sand.u32 $0x1E040, s7;
	s15 =	ssub.s32 s30, s12  }
0x11: {  	s3 =	sadd.s32 s3, s29;
	s19 =	sor.u32 $0x2, s15;
	s21 =	sor.u32 $0x3, s15;
	v0 =	vmov s15  }
0x12: {  	s5 =	sadd.s32 $0x10, s3;
	s12 =	sshrl.u32 s12, $0x3;
	s18 =	sor.u32 $0x1, s15;
	v0 =	vbroadcast v0, $0x0;
	v1 =	vmov s19;
	v63 =	vmov s21  }
0x13: {  	s6 =	sadd.s32 $0x20, s3;
	s8 =	sadd.s32 s8, s12;
	s12 =	sand.u32 $0x70, s31;
	v61 =	vmov s18;
	v62 =	vbroadcast v1, $0x0;
	[tilespmem:$0x1FFF0] =	vst v63  }
0x14: {  	s7 =	sadd.s32 $0x30, s3;
	s15 =	simm.s32 $0x6000;
	s9 =	sadd.s32 s9, s12;
	[tilespmem:$0x1FFC0] =	vst v0;
	v0 =	vbroadcast v61, $0x0  }
0x15: {  	s12 =	simm.s32 $0x400;
	s18 =	simm.s32 $0x2;
	s19 =	simm.s32 $0x3;
	[tilespmem:$0x1FFE0] =	vst v62  }
0x16: {  	s21 =	simm.s32 $0x8080;
	s9 =	sadd.s32 s10, s9;
	s10 =	smax.u32 s26, $0x1;
	[tilespmem:$0x1FFD0] =	vst v0  }
.LBB2_1:
0x17: {  	[tilespmem:s2], [sflag:$0x1] =	stream.strided.gather [hbm4b:s3+s11], $0x2000, s12, s11, $0x38;
	[tilespmem:$0x8100] =	vst v63  }
0x18: {  	_ = 	snop  }
0x19: {  	[tilespmem:s13], [sflag:$0x2] =	stream.strided.gather [hbm4b:s5+s11], $0x2000, s12, s11, $0x38;
	[tilespmem:$0x8100] =	vst v63  }
0x1a: {  	_ = 	snop  }
0x1b: {  	[tilespmem:s14], [sflag:$0x3] =	stream.strided.gather [hbm4b:s6+s11], $0x2000, s12, s11, $0x38;
	[tilespmem:$0x8100] =	vst v63  }
0x1c: {  	_ = 	snop  }
0x1d: {  	[tilespmem:s15], [sflag:$0x4] =	stream.strided.gather [hbm4b:s7+s11], $0x2000, s12, s11, $0x38;
	[tilespmem:$0x8100] =	vst v63  }
0x1e: {  	_ = 	snop  }
0x1f: {  	[tilespmem:s16], [sflag:$0x5] =	stream.linear.gather [hbm4b:s8+s2], $0x10, $0x38;
	[tilespmem:$0x8100] =	vst v63  }
0x20: {  	_ =	swait.ge [sflag:s4], $0x2000  }
0x21: {  	[sflag:s4] =	ssyncset.done $0x0  }
0x22: {  	[sflag:s4] =	ssyncadd.s32 $0xFFFFE000  }
0x23: {  	_ =	swait.ge [sflag:s17], $0x10  }
0x24: {  	[sflag:s17] =	ssyncset.done $0x0  }
0x25: {  	s26 =	simm.s32 $0x0;
	[sflag:s17] =	ssyncadd.s32 $0xFFFFFFF0  }
0x26: {  	v0 =	vld [tilespmem:s26+$0xF0]  }
0x27: {  	v1 =	vld [tilespmem:s26+$0x0]  }
0x28: {  	v2 =	vld [tilespmem:s26+$0x10]  }
0x29: {  	v3 =	vld [tilespmem:s26+$0x20]  }
0x2a: {  	v4 =	vld [tilespmem:s26+$0x30]  }
0x2b: {  	v8 =	vld [tilespmem:s26+$0x40]  }
0x2c: {  	v9 =	vld [tilespmem:s26+$0x50]  }
0x2d: {  	v10 =	vld [tilespmem:s26+$0x60]  }
0x2e: {  	v11 =	vld [tilespmem:s26+$0x70]  }
0x2f: {  	v15 =	vimm.f32 $0.0e+00;
	v12 =	vld [tilespmem:s26+$0x80]  }
0x30: {  	v5 =	vadd.f32 v0, v15;
	v0 =	vld [tilespmem:s26+$0x90];
	v13 =	vadd.f32 v1, v15  }
0x31: {  	v14 =	vadd.f32 v2, v15;
	v6 =	vadd.f32 v3, v15;
	v3 =	vld [tilespmem:s26+$0xA0]  }
0x32: {  	v7 =	vadd.f32 v4, v15;
	v8 =	vadd.f32 v8, v15;
	v4 =	vld [tilespmem:s26+$0xB0]  }
0x33: {  	v16 =	vimm.f32 $0.0e+00;
	v17 =	vld [tilespmem:s26+$0xC0];
	v9 =	vadd.f32 v9, v15;
	v10 =	vadd.f32 v10, v15  }
0x34: {  	v18 =	vld [tilespmem:s26+$0xD0];
	v11 =	vadd.f32 v11, v15;
	v12 =	vadd.f32 v12, v15;
	v2 =	vimm.f32 $0.0e+00  }
0x35: {  	s24 =	simm.s32 $0x100;
	s25 =	simm.s32 $0x800;
	v19 =	vld [tilespmem:s26+$0xE0];
	v1 =	vimm.f32 $0.0e+00;
	v21 =	vadd.f32 v0, v15;
	v0 =	vimm.f32 $0.0e+00  }
.LBB2_2:
0x36: {  	p0 =	sne.s32 s25, $0x7C00;
	v20 =	vld [tilespmem:s24+$0xF0];
	v15 =	vadd.f32 v3, v15  }
0x37: {  	v3 =	vld [tilespmem:s24+$0x0];
	v0 =	vadd.f32 v4, v0  }
0x38: {  	v4 =	vld [tilespmem:s24+$0x10];
	v2 =	vadd.f32 v17, v2  }
0x39: {  	v17 =	vld [tilespmem:s24+$0x20];
	v16 =	vadd.f32 v18, v16  }
0x3a: {  	v18 =	vld [tilespmem:s24+$0x30];
	v1 =	vadd.f32 v19, v1  }
0x3b: {  	v19 =	vld [tilespmem:s24+$0x40];
	v5 =	vadd.f32 v20, v5  }
0x3c: {  	v13 =	vadd.f32 v3, v13;
	v3 =	vld [tilespmem:s24+$0x50]  }
0x3d: {  	v14 =	vadd.f32 v4, v14;
	v4 =	vld [tilespmem:s24+$0x60]  }
0x3e: {  	v6 =	vadd.f32 v17, v6;
	v17 =	vld [tilespmem:s24+$0x70]  }
0x3f: {  	v7 =	vadd.f32 v18, v7;
	v18 =	vld [tilespmem:s24+$0x80]  }
0x40: {  	v8 =	vadd.f32 v19, v8;
	v19 =	vld [tilespmem:s24+$0x90]  }
.Ltmp0:
0x41: {  	v9 =	vadd.f32 v3, v9;
	v3 =	vld [tilespmem:s24+$0xA0];
	(pc) =	sbr.rel @p0 .LBB2_2-.Ltmp0, $4  }
0x42: {  	v10 =	vadd.f32 v4, v10;
	v4 =	vld [tilespmem:s24+$0xB0]  }
0x43: {  	v11 =	vadd.f32 v17, v11;
	v17 =	vld [tilespmem:s24+$0xC0]  }
0x44: {  	v12 =	vadd.f32 v18, v12;
	v18 =	vld [tilespmem:s24+$0xD0]  }
0x45: {  	v21 =	vadd.f32 v19, v21;
	v19 =	vld [tilespmem:s24+$0xE0];
	s24 =	sshra.s32 s25, $0x2;
	s25 =	sadd.s32 $0x400, s25  }
0x46: {  	v20 =	vld [tilespmem:s24+$0xF0]  }
0x47: {  	v22 =	vld [tilespmem:s24+$0x0]  }
0x48: {  	v23 =	vld [tilespmem:s24+$0x10]  }
0x49: {  	v37 =	vld [tilespmem:$0x1FFC0]  }
0x4a: {  	v24 =	vld [tilespmem:s24+$0x20]  }
0x4b: {  	v25 =	vld [tilespmem:s24+$0x30]  }
0x4c: {  	v26 =	vld [tilespmem:s24+$0x40]  }
0x4d: {  	v27 =	vld [tilespmem:s24+$0x50]  }
0x4e: {  	v28 =	vld [tilespmem:s24+$0x60]  }
0x4f: {  	v29 =	vld [tilespmem:s24+$0x70]  }
0x50: {  	v30 =	vld [tilespmem:s24+$0x80]  }
0x51: {  	v37 =	vld.idx.msk [tilespmem:v37+s16+$0x0], $0xffff  }
0x52: {  	v31 =	vld [tilespmem:s24+$0x90]  }
0x53: {  	v32 =	vld [tilespmem:s24+$0xA0]  }
0x54: {  	v33 =	vld [tilespmem:s24+$0xB0]  }
0x55: {  	v34 =	vld [tilespmem:s24+$0xC0]  }
0x56: {  	v35 =	vld [tilespmem:s24+$0xD0];
	[tilespmem:$0x1FED0] =	vst v37  }
0x57: {  	v36 =	vld [tilespmem:s24+$0xE0];
	_ =	swait.ge [sflag:s18], $0x2000  }
0x58: {  	v0 =	vadd.f32 v4, v0;
	v5 =	vadd.f32 v20, v5;
	[sflag:s18] =	ssyncset.done $0x0  }
0x59: {  	s26 =	simm.s32 $0x0;
	v2 =	vadd.f32 v17, v2;
	v6 =	vadd.f32 v24, v6;
	[sflag:s18] =	ssyncadd.s32 $0xFFFFE000  }
0x5a: {  	v0 =	vadd.f32 v33, v0;
	[tilespmem:$0x1FEE0] =	vst v5;
	v4 =	vld [tilespmem:s26+$0x20F0]  }
0x5b: {  	v1 =	vadd.f32 v19, v1;
	v2 =	vadd.f32 v34, v2;
	[tilespmem:$0x1FEF0] =	vst v6;
	v38 =	vld [tilespmem:s26+$0x2000]  }
0x5c: {  	v60 =	vadd.f32 v18, v16;
	v6 =	vadd.f32 v25, v7;
	[tilespmem:$0x1FF80] =	vst v0;
	v5 =	vld [tilespmem:s26+$0x2010]  }
0x5d: {  	v20 =	vadd.f32 v23, v14;
	v1 =	vadd.f32 v36, v1;
	[tilespmem:$0x1FF90] =	vst v2;
	v23 =	vld [tilespmem:s26+$0x2020]  }
0x5e: {  	v7 =	vadd.f32 v26, v8;
	[tilespmem:$0x1FF00] =	vst v6;
	v6 =	vld [tilespmem:s26+$0x2030]  }
0x5f: {  	v2 =	vadd.f32 v35, v60;
	[tilespmem:$0x1FFB0] =	vst v1;
	v63 =	vld [tilespmem:s26+$0x2060]  }
0x60: {  	v3 =	vadd.f32 v3, v15;
	v8 =	vadd.f32 v28, v10;
	[tilespmem:$0x1FF10] =	vst v7;
	v0 =	vld [tilespmem:s26+$0x2070]  }
0x61: {  	v19 =	vadd.f32 v22, v13;
	v7 =	vadd.f32 v27, v9;
	[tilespmem:$0x1FFA0] =	vst v2;
	v2 =	vld [tilespmem:s26+$0x2080]  }
0x62: {  	v61 =	vadd.f32 v30, v12;
	[tilespmem:$0x1FF30] =	vst v8;
	v8 =	vadd.f32 v29, v11;
	v1 =	vld [tilespmem:s26+$0x2090]  }
0x63: {  	v62 =	vadd.f32 v31, v21;
	v3 =	vadd.f32 v32, v3;
	v32 =	vimm.f32 $0.0e+00;
	[tilespmem:$0x1FF20] =	vst v7;
	v7 =	vld [tilespmem:s26+$0x2040]  }
0x64: {  	[tilespmem:$0x1FF40] =	vst v8;
	v8 =	vld [tilespmem:s26+$0x2050];
	v22 =	vadd.f32 v4, v32;
	v30 =	vadd.f32 v38, v32  }
0x65: {  	[tilespmem:$0x1FF70] =	vst v3;
	v3 =	vld [tilespmem:s26+$0x20A0];
	v31 =	vadd.f32 v5, v32;
	v23 =	vadd.f32 v23, v32  }
0x66: {  	v24 =	vadd.f32 v6, v32;
	v4 =	vld [tilespmem:s26+$0x20B0];
	v27 =	vadd.f32 v63, v32  }
0x67: {  	v33 =	vimm.f32 $0.0e+00;
	v28 =	vadd.f32 v0, v32;
	v5 =	vld [tilespmem:s26+$0x20C0];
	v29 =	vadd.f32 v2, v32  }
0x68: {  	[tilespmem:$0x1FF50] =	vst v61;
	v6 =	vld [tilespmem:s26+$0x20D0];
	v38 =	vadd.f32 v1, v32;
	v0 =	vimm.f32 $0.0e+00;
	v2 =	vimm.f32 $0.0e+00  }
0x69: {  	s24 =	simm.s32 $0x100;
	s25 =	simm.s32 $0x800;
	[tilespmem:$0x1FF60] =	vst v62;
	v34 =	vld [tilespmem:s26+$0x20E0];
	v1 =	vimm.f32 $0.0e+00;
	v25 =	vadd.f32 v7, v32;
	v26 =	vadd.f32 v8, v32  }
.LBB2_4:
0x6a: {  	p0 =	sne.s32 s25, $0x7C00;
	v7 =	vld [tilespmem:s24+$0x20F0];
	v32 =	vadd.f32 v3, v32  }
0x6b: {  	v3 =	vld [tilespmem:s24+$0x2000];
	v0 =	vadd.f32 v4, v0  }
0x6c: {  	v4 =	vld [tilespmem:s24+$0x2010];
	v2 =	vadd.f32 v5, v2  }
0x6d: {  	v5 =	vld [tilespmem:s24+$0x2020];
	v33 =	vadd.f32 v6, v33  }
0x6e: {  	v6 =	vld [tilespmem:s24+$0x2030];
	v1 =	vadd.f32 v34, v1  }
0x6f: {  	v8 =	vld [tilespmem:s24+$0x2040];
	v22 =	vadd.f32 v7, v22  }
0x70: {  	v30 =	vadd.f32 v3, v30;
	v3 =	vld [tilespmem:s24+$0x2050]  }
0x71: {  	v31 =	vadd.f32 v4, v31;
	v4 =	vld [tilespmem:s24+$0x2060]  }
0x72: {  	v23 =	vadd.f32 v5, v23;
	v5 =	vld [tilespmem:s24+$0x2070]  }
0x73: {  	v24 =	vadd.f32 v6, v24;
	v6 =	vld [tilespmem:s24+$0x2080]  }
0x74: {  	v25 =	vadd.f32 v8, v25;
	v7 =	vld [tilespmem:s24+$0x2090]  }
.Ltmp1:
0x75: {  	v26 =	vadd.f32 v3, v26;
	v3 =	vld [tilespmem:s24+$0x20A0];
	(pc) =	sbr.rel @p0 .LBB2_4-.Ltmp1, $4  }
0x76: {  	v27 =	vadd.f32 v4, v27;
	v4 =	vld [tilespmem:s24+$0x20B0]  }
0x77: {  	v28 =	vadd.f32 v5, v28;
	v5 =	vld [tilespmem:s24+$0x20C0]  }
0x78: {  	v29 =	vadd.f32 v6, v29;
	v6 =	vld [tilespmem:s24+$0x20D0]  }
0x79: {  	v38 =	vadd.f32 v7, v38;
	v34 =	vld [tilespmem:s24+$0x20E0];
	s24 =	sshra.s32 s25, $0x2;
	s25 =	sadd.s32 $0x400, s25  }
0x7a: {  	v7 =	vld [tilespmem:s24+$0x20F0]  }
0x7b: {  	v8 =	vld [tilespmem:s24+$0x2000]  }
0x7c: {  	v9 =	vld [tilespmem:s24+$0x2010]  }
0x7d: {  	v10 =	vld [tilespmem:s24+$0x2020]  }
0x7e: {  	v11 =	vld [tilespmem:s24+$0x2030]  }
0x7f: {  	v39 =	vld [tilespmem:s24+$0x2040]  }
0x80: {  	v40 =	vld [tilespmem:s24+$0x2050]  }
0x81: {  	v41 =	vld [tilespmem:s24+$0x2060]  }
0x82: {  	v42 =	vld [tilespmem:s24+$0x2070]  }
0x83: {  	v12 =	vld [tilespmem:$0x1FFD0]  }
0x84: {  	v43 =	vld [tilespmem:s24+$0x2080]  }
0x85: {  	v44 =	vld [tilespmem:s24+$0x2090]  }
0x86: {  	v45 =	vld [tilespmem:s24+$0x20A0]  }
0x87: {  	v46 =	vld [tilespmem:s24+$0x20B0]  }
0x88: {  	v47 =	vld [tilespmem:s24+$0x20C0]  }
0x89: {  	v48 =	vld [tilespmem:s24+$0x20D0]  }
0x8a: {  	v50 =	vld [tilespmem:s24+$0x20E0]  }
0x8b: {  	v21 =	vld.idx.msk [tilespmem:v12+s16+$0x0], $0xffff;
	_ =	swait.ge [sflag:s19], $0x2000  }
0x8c: {  	[sflag:s19] =	ssyncset.done $0x0  }
0x8d: {  	s26 =	simm.s32 $0x0;
	[sflag:s19] =	ssyncadd.s32 $0xFFFFE000  }
0x8e: {  	v3 =	vadd.f32 v3, v32;
	v0 =	vadd.f32 v4, v0;
	v4 =	vld [tilespmem:s26+$0x40F0]  }
0x8f: {  	v2 =	vadd.f32 v5, v2;
	v5 =	vadd.f32 v6, v33;
	v6 =	vld [tilespmem:s26+$0x4000]  }
0x90: {  	v1 =	vadd.f32 v34, v1;
	v22 =	vadd.f32 v7, v22;
	v7 =	vld [tilespmem:s26+$0x4010]  }
0x91: {  	v36 =	vadd.f32 v8, v30;
	v37 =	vadd.f32 v9, v31;
	v8 =	vld [tilespmem:s26+$0x4020]  }
0x92: {  	v35 =	vadd.f32 v10, v23;
	v34 =	vadd.f32 v11, v24;
	v60 =	vld [tilespmem:s26+$0x4030]  }
0x93: {  	v33 =	vadd.f32 v39, v25;
	v32 =	vadd.f32 v40, v26;
	v61 =	vld [tilespmem:s26+$0x4040]  }
0x94: {  	v31 =	vadd.f32 v41, v27;
	v30 =	vadd.f32 v42, v28;
	v62 =	vld [tilespmem:s26+$0x4050]  }
0x95: {  	v29 =	vadd.f32 v43, v29;
	v28 =	vadd.f32 v44, v38;
	v63 =	vld [tilespmem:s26+$0x4060]  }
0x96: {  	v27 =	vadd.f32 v45, v3;
	v26 =	vadd.f32 v46, v0;
	v0 =	vld [tilespmem:s26+$0x4070]  }
0x97: {  	v49 =	vimm.f32 $0.0e+00;
	v25 =	vadd.f32 v47, v2;
	v24 =	vadd.f32 v48, v5;
	v2 =	vld [tilespmem:s26+$0x4080]  }
0x98: {  	v23 =	vadd.f32 v50, v1;
	v1 =	vld [tilespmem:s26+$0x4090];
	v39 =	vadd.f32 v4, v49  }
0x99: {  	v47 =	vadd.f32 v6, v49;
	v48 =	vadd.f32 v7, v49  }
0x9a: {  	v3 =	vld [tilespmem:s26+$0x40A0];
	v40 =	vadd.f32 v8, v49;
	v41 =	vadd.f32 v60, v49  }
0x9b: {  	v42 =	vadd.f32 v61, v49;
	v43 =	vadd.f32 v62, v49;
	v4 =	vld [tilespmem:s26+$0x40B0]  }
0x9c: {  	v5 =	vld [tilespmem:s26+$0x40C0];
	v44 =	vadd.f32 v63, v49;
	v45 =	vadd.f32 v0, v49  }
0x9d: {  	v50 =	vimm.f32 $0.0e+00;
	v46 =	vadd.f32 v2, v49;
	v6 =	vld [tilespmem:s26+$0x40D0];
	v56 =	vadd.f32 v1, v49  }
0x9e: {  	s24 =	simm.s32 $0x100;
	s25 =	simm.s32 $0x800;
	v51 =	vld [tilespmem:s26+$0x40E0];
	v0 =	vimm.f32 $0.0e+00;
	v2 =	vimm.f32 $0.0e+00;
	v1 =	vimm.f32 $0.0e+00  }
.LBB2_6:
0x9f: {  	p0 =	sne.s32 s25, $0x7C00;
	v7 =	vld [tilespmem:s24+$0x40F0];
	v49 =	vadd.f32 v3, v49  }
0xa0: {  	v3 =	vld [tilespmem:s24+$0x4000];
	v0 =	vadd.f32 v4, v0  }
0xa1: {  	v4 =	vld [tilespmem:s24+$0x4010];
	v2 =	vadd.f32 v5, v2  }
0xa2: {  	v5 =	vld [tilespmem:s24+$0x4020];
	v50 =	vadd.f32 v6, v50  }
0xa3: {  	v6 =	vld [tilespmem:s24+$0x4030];
	v1 =	vadd.f32 v51, v1  }
0xa4: {  	v8 =	vld [tilespmem:s24+$0x4040];
	v39 =	vadd.f32 v7, v39  }
0xa5: {  	v47 =	vadd.f32 v3, v47;
	v3 =	vld [tilespmem:s24+$0x4050]  }
0xa6: {  	v48 =	vadd.f32 v4, v48;
	v4 =	vld [tilespmem:s24+$0x4060]  }
0xa7: {  	v40 =	vadd.f32 v5, v40;
	v5 =	vld [tilespmem:s24+$0x4070]  }
0xa8: {  	v41 =	vadd.f32 v6, v41;
	v6 =	vld [tilespmem:s24+$0x4080]  }
0xa9: {  	v42 =	vadd.f32 v8, v42;
	v7 =	vld [tilespmem:s24+$0x4090]  }
.Ltmp2:
0xaa: {  	v43 =	vadd.f32 v3, v43;
	v3 =	vld [tilespmem:s24+$0x40A0];
	(pc) =	sbr.rel @p0 .LBB2_6-.Ltmp2, $4  }
0xab: {  	v44 =	vadd.f32 v4, v44;
	v4 =	vld [tilespmem:s24+$0x40B0]  }
0xac: {  	v45 =	vadd.f32 v5, v45;
	v5 =	vld [tilespmem:s24+$0x40C0]  }
0xad: {  	v46 =	vadd.f32 v6, v46;
	v6 =	vld [tilespmem:s24+$0x40D0]  }
0xae: {  	v56 =	vadd.f32 v7, v56;
	v51 =	vld [tilespmem:s24+$0x40E0];
	s24 =	sshra.s32 s25, $0x2;
	s25 =	sadd.s32 $0x400, s25  }
0xaf: {  	v7 =	vld [tilespmem:s24+$0x40F0]  }
0xb0: {  	v8 =	vld [tilespmem:s24+$0x4000]  }
0xb1: {  	v9 =	vld [tilespmem:s24+$0x4010]  }
0xb2: {  	v10 =	vld [tilespmem:s24+$0x4020]  }
0xb3: {  	v11 =	vld [tilespmem:s24+$0x4030]  }
0xb4: {  	v57 =	vld [tilespmem:s24+$0x4040]  }
0xb5: {  	v58 =	vld [tilespmem:s24+$0x4050]  }
0xb6: {  	v59 =	vld [tilespmem:s24+$0x4060]  }
0xb7: {  	v60 =	vld [tilespmem:s24+$0x4070]  }
0xb8: {  	v16 =	vld [tilespmem:$0x1FFE0]  }
0xb9: {  	v61 =	vld [tilespmem:s24+$0x4080]  }
0xba: {  	v62 =	vld [tilespmem:s24+$0x4090]  }
0xbb: {  	v63 =	vld [tilespmem:s24+$0x40A0]  }
0xbc: {  	v12 =	vld [tilespmem:s24+$0x40B0]  }
0xbd: {  	v13 =	vld [tilespmem:s24+$0x40C0]  }
0xbe: {  	v14 =	vld [tilespmem:s24+$0x40D0]  }
0xbf: {  	v15 =	vld [tilespmem:s24+$0x40E0]  }
0xc0: {  	v38 =	vld.idx.msk [tilespmem:v16+s16+$0x0], $0xffff;
	_ =	swait.ge [sflag:s20], $0x2000  }
0xc1: {  	[sflag:s20] =	ssyncset.done $0x0  }
0xc2: {  	s26 =	simm.s32 $0x0;
	v3 =	vadd.f32 v3, v49;
	v0 =	vadd.f32 v4, v0;
	[sflag:s20] =	ssyncadd.s32 $0xFFFFE000  }
0xc3: {  	v2 =	vadd.f32 v5, v2;
	v5 =	vadd.f32 v6, v50;
	v4 =	vld [tilespmem:s26+$0x60F0]  }
0xc4: {  	v1 =	vadd.f32 v51, v1;
	v39 =	vadd.f32 v7, v39;
	v6 =	vld [tilespmem:s26+$0x6000]  }
0xc5: {  	v54 =	vadd.f32 v8, v47;
	v55 =	vadd.f32 v9, v48;
	v7 =	vld [tilespmem:s26+$0x6010]  }
0xc6: {  	v53 =	vadd.f32 v10, v40;
	v52 =	vadd.f32 v11, v41;
	v8 =	vld [tilespmem:s26+$0x6020]  }
0xc7: {  	v51 =	vadd.f32 v57, v42;
	v50 =	vadd.f32 v58, v43;
	v9 =	vld [tilespmem:s26+$0x6030]  }
0xc8: {  	v49 =	vadd.f32 v59, v44;
	v48 =	vadd.f32 v60, v45;
	v10 =	vld [tilespmem:s26+$0x6040]  }
0xc9: {  	v47 =	vadd.f32 v61, v46;
	v46 =	vadd.f32 v62, v56;
	v11 =	vld [tilespmem:s26+$0x6050]  }
0xca: {  	v45 =	vadd.f32 v63, v3;
	v44 =	vadd.f32 v12, v0;
	v60 =	vld [tilespmem:s26+$0x6060]  }
0xcb: {  	v43 =	vadd.f32 v13, v2;
	v42 =	vadd.f32 v14, v5;
	v2 =	vimm.f32 $0.0e+00;
	v3 =	vld [tilespmem:s26+$0x6070]  }
0xcc: {  	v41 =	vadd.f32 v15, v1;
	v5 =	vld [tilespmem:s26+$0x6080];
	v40 =	vadd.f32 v4, v2  }
0xcd: {  	v4 =	vld [tilespmem:s26+$0x6090];
	v63 =	vadd.f32 v6, v2;
	v0 =	vadd.f32 v7, v2  }
0xce: {  	v56 =	vadd.f32 v8, v2;
	v57 =	vadd.f32 v9, v2;
	v7 =	vld [tilespmem:s26+$0x60A0]  }
0xcf: {  	v58 =	vadd.f32 v10, v2;
	v59 =	vadd.f32 v11, v2;
	v8 =	vld [tilespmem:s26+$0x60B0]  }
0xd0: {  	v60 =	vadd.f32 v60, v2;
	v61 =	vadd.f32 v3, v2;
	v9 =	vld [tilespmem:s26+$0x60C0]  }
0xd1: {  	v1 =	vadd.f32 v5, v2;
	v10 =	vld [tilespmem:s26+$0x60D0];
	v3 =	vimm.f32 $0.0e+00;
	v6 =	vimm.f32 $0.0e+00  }
0xd2: {  	s24 =	simm.s32 $0x100;
	s25 =	simm.s32 $0x800;
	v11 =	vld [tilespmem:s26+$0x60E0];
	v5 =	vimm.f32 $0.0e+00;
	v62 =	vadd.f32 v4, v2;
	v4 =	vimm.f32 $0.0e+00  }
.LBB2_8:
0xd3: {  	p0 =	sne.s32 s25, $0x7C00;
	v12 =	vld [tilespmem:s24+$0x60F0];
	v2 =	vadd.f32 v7, v2  }
0xd4: {  	v7 =	vld [tilespmem:s24+$0x6000];
	v3 =	vadd.f32 v8, v3  }
0xd5: {  	v8 =	vld [tilespmem:s24+$0x6010];
	v6 =	vadd.f32 v9, v6  }
0xd6: {  	v9 =	vld [tilespmem:s24+$0x6020];
	v4 =	vadd.f32 v10, v4  }
0xd7: {  	v10 =	vld [tilespmem:s24+$0x6030];
	v5 =	vadd.f32 v11, v5  }
0xd8: {  	v11 =	vld [tilespmem:s24+$0x6040];
	v40 =	vadd.f32 v12, v40  }
0xd9: {  	v63 =	vadd.f32 v7, v63;
	v7 =	vld [tilespmem:s24+$0x6050]  }
0xda: {  	v0 =	vadd.f32 v8, v0;
	v8 =	vld [tilespmem:s24+$0x6060]  }
0xdb: {  	v56 =	vadd.f32 v9, v56;
	v9 =	vld [tilespmem:s24+$0x6070]  }
0xdc: {  	v57 =	vadd.f32 v10, v57;
	v10 =	vld [tilespmem:s24+$0x6080]  }
0xdd: {  	v58 =	vadd.f32 v11, v58;
	v11 =	vld [tilespmem:s24+$0x6090]  }
.Ltmp3:
0xde: {  	v59 =	vadd.f32 v7, v59;
	v7 =	vld [tilespmem:s24+$0x60A0];
	(pc) =	sbr.rel @p0 .LBB2_8-.Ltmp3, $4  }
0xdf: {  	v60 =	vadd.f32 v8, v60;
	v8 =	vld [tilespmem:s24+$0x60B0]  }
0xe0: {  	v61 =	vadd.f32 v9, v61;
	v9 =	vld [tilespmem:s24+$0x60C0]  }
0xe1: {  	v1 =	vadd.f32 v10, v1;
	v10 =	vld [tilespmem:s24+$0x60D0]  }
0xe2: {  	v62 =	vadd.f32 v11, v62;
	v11 =	vld [tilespmem:s24+$0x60E0];
	s24 =	sshra.s32 s25, $0x2;
	s25 =	sadd.s32 $0x400, s25  }
0xe3: {  	v12 =	vld [tilespmem:s24+$0x6000]  }
0xe4: {  	v13 =	vld [tilespmem:s24+$0x6010]  }
0xe5: {  	v14 =	vld [tilespmem:s24+$0x6020]  }
0xe6: {  	v15 =	vld [tilespmem:s24+$0x6030]  }
0xe7: {  	v16 =	vld [tilespmem:s24+$0x6040]  }
0xe8: {  	v17 =	vld [tilespmem:s24+$0x6050]  }
0xe9: {  	v18 =	vld [tilespmem:s24+$0x6060]  }
0xea: {  	v2 =	vadd.f32 v7, v2;
	v7 =	vld [tilespmem:s24+$0x6070];
	v3 =	vadd.f32 v8, v3  }
0xeb: {  	v8 =	vld [tilespmem:s24+$0x6080];
	v6 =	vadd.f32 v9, v6;
	v4 =	vadd.f32 v10, v4  }
0xec: {  	v9 =	vld [tilespmem:s24+$0x6090];
	v5 =	vadd.f32 v11, v5;
	v10 =	vadd.f32 v12, v63  }
0xed: {  	v11 =	vld [tilespmem:s24+$0x60A0];
	v0 =	vadd.f32 v13, v0;
	v12 =	vadd.f32 v14, v56  }
0xee: {  	v13 =	vadd.f32 v15, v57;
	v63 =	vld [tilespmem:s24+$0x60B0];
	v15 =	vadd.f32 v16, v58  }
0xef: {  	v16 =	vadd.f32 v17, v59;
	v18 =	vadd.f32 v18, v60;
	v59 =	vld [tilespmem:$0x1FEF0]  }
0xf0: {  	v7 =	vadd.f32 v7, v61;
	v57 =	vadd.f32 v20, v19  }
0xf1: {  	v60 =	vadd.f32 v37, v36;
	v61 =	vld [tilespmem:$0x1FF00];
	v9 =	vadd.f32 v9, v62  }
0xf2: {  	v62 =	vadd.f32 v55, v54;
	v2 =	vadd.f32 v11, v2  }
0xf3: {  	v11 =	vadd.f32 v35, v60;
	v3 =	vadd.f32 v63, v3;
	v63 =	vld [tilespmem:$0x1FF10]  }
0xf4: {  	v1 =	vadd.f32 v8, v1;
	v8 =	vadd.f32 v59, v57  }
0xf5: {  	v19 =	vld [tilespmem:$0x1FF20];
	v14 =	vadd.f32 v53, v62;
	v11 =	vadd.f32 v34, v11  }
0xf6: {  	v0 =	vadd.f32 v0, v10;
	v8 =	vadd.f32 v61, v8  }
0xf7: {  	v20 =	vadd.f32 v52, v14;
	v11 =	vadd.f32 v33, v11;
	v33 =	vld [tilespmem:$0x1FF30]  }
0xf8: {  	v0 =	vadd.f32 v12, v0;
	v8 =	vadd.f32 v63, v8  }
0xf9: {  	v34 =	vld [tilespmem:$0x1FF40];
	v10 =	vadd.f32 v51, v20  }
0xfa: {  	v0 =	vadd.f32 v13, v0;
	v8 =	vadd.f32 v19, v8  }
0xfb: {  	v35 =	vld [tilespmem:$0x1FF50];
	v11 =	vadd.f32 v32, v11;
	v10 =	vadd.f32 v50, v10  }
0xfc: {  	v56 =	vld [tilespmem:s24+$0x60C0];
	v0 =	vadd.f32 v15, v0;
	v8 =	vadd.f32 v33, v8  }
0xfd: {  	v36 =	vld [tilespmem:$0x1FF60];
	v11 =	vadd.f32 v31, v11;
	v10 =	vadd.f32 v49, v10  }
0xfe: {  	v58 =	vld [tilespmem:s24+$0x60D0];
	v0 =	vadd.f32 v16, v0;
	v8 =	vadd.f32 v34, v8  }
0xff: {  	v37 =	vld [tilespmem:$0x1FF70];
	v11 =	vadd.f32 v30, v11;
	v10 =	vadd.f32 v48, v10  }
0x100: {  	v0 =	vadd.f32 v18, v0;
	v8 =	vadd.f32 v35, v8  }
0x101: {  	v11 =	vadd.f32 v29, v11;
	v10 =	vadd.f32 v47, v10;
	v47 =	vld [tilespmem:$0x1FF80]  }
0x102: {  	v6 =	vadd.f32 v56, v6;
	v8 =	vadd.f32 v36, v8  }
0x103: {  	v50 =	vld [tilespmem:$0x1FF90];
	v0 =	vadd.f32 v7, v0;
	v11 =	vadd.f32 v28, v11  }
0x104: {  	v4 =	vadd.f32 v58, v4;
	v8 =	vadd.f32 v37, v8  }
0x105: {  	v53 =	vld [tilespmem:$0x1FFA0];
	v0 =	vadd.f32 v1, v0;
	v49 =	vadd.f32 v27, v11  }
0x106: {  	v48 =	vadd.f32 v46, v10;
	v7 =	vadd.f32 v47, v8  }
0x107: {  	v55 =	vld [tilespmem:$0x1FFB0];
	v0 =	vadd.f32 v9, v0;
	v52 =	vadd.f32 v26, v49  }
0x108: {  	v62 =	vld [tilespmem:$0x1FFF0];
	v51 =	vadd.f32 v45, v48;
	v1 =	vadd.f32 v50, v7  }
0x109: {  	v57 =	vld [tilespmem:$0x1FEE0];
	v0 =	vadd.f32 v2, v0;
	v8 =	vadd.f32 v25, v52  }
0x10a: {  	v54 =	vld [tilespmem:s24+$0x60E0];
	v7 =	vadd.f32 v44, v51;
	v1 =	vadd.f32 v53, v1  }
0x10b: {  	v59 =	vld [tilespmem:$0x1FED0];
	v0 =	vadd.f32 v3, v0;
	v8 =	vadd.f32 v24, v8  }
0x10c: {  	v56 =	vld [tilespmem:s24+$0x60F0];
	v7 =	vadd.f32 v43, v7;
	v1 =	vadd.f32 v55, v1  }
0x10d: {  	v0 =	vadd.f32 v6, v0;
	v8 =	vadd.f32 v23, v8  }
0x10e: {  	v7 =	vadd.f32 v42, v7;
	v1 =	vadd.f32 v57, v1  }
0x10f: {  	v2 =	vadd.f32 v54, v5;
	v0 =	vadd.f32 v4, v0  }
0x110: {  	v60 =	vadd.f32 v22, v8;
	v58 =	vadd.f32 v41, v7;
	v1 =	vmul.f32 v59, v1  }
0x111: {  	v5 =	vld.idx.msk [tilespmem:v62+s16+$0x0], $0xffff;
	v3 =	vadd.f32 v56, v40;
	v0 =	vadd.f32 v2, v0  }
0x112: {  	v6 =	vmul.f32 v21, v60;
	v61 =	vadd.f32 v39, v58;
	v1 =	vadd.f32 $0.0e+00, v1;
	_ =	sdelay $0x1  }
0x113: {  	v0 =	vadd.f32 v3, v0;
	v63 =	vmul.f32 v38, v61;
	v1 =	vadd.f32 v6, v1;
	_ =	sdelay $0x1  }
0x114: {  	v0 =	vmul.f32 v5, v0;
	v1 =	vadd.f32 v63, v1;
	_ =	sdelay $0x1  }
0x115: {  	s23 =	sadd.s32 $0x1, s23;
	v0 =	vadd.f32 v0, v1  }
0x116: {  	p0 =	sne.s32 s23, s10  }
.Ltmp4:
0x117: {  	[tilespmem:$0x8080] =	vst v0;
	(pc) =	sbr.rel @p0 .LBB2_1-.Ltmp4, $4  }
0x118: {  	[hbm4b:s9+s2] =	stream.linear.scatter [tilespmem:s21], [sflag:$0x6], $0x80, $0x38;
	[tilespmem:$0x8100] =	vst v63  }
0x119: {  	_ =	swait.ge [sflag:s22], $0x80  }
0x11a: {  	[sflag:s22] =	ssyncset.done $0x0  }
0x11b: {  	[sflag:s22] =	ssyncadd.s32 $0xFFFFFF80  }
0x11c: {  	_ =	sfence.sel $0x180000  }
0x11d: {  	[bflag:$0x0] =	sbarrier.arrive $0xFFFF  }
0x11e: {  	p0 =	sne.s32 s1, $0x0;
	_ =	strace $0x90000047  }
0x11f: {  	s0 =	sadd.s32 @!p0 $0x100000, s0;
	[bflag:$0x2] =	sbarrier.arrive $0xFFFF  }
0x120: {  	[sflag:s0] =	ssyncadd.tile.s32 @!p0 $0x1;
	_ =	shalt  }
.Lfunc_end2:
_tile_overlayer_lowered:
.L_overlay_start_2:
0x121: {  	(tag) =	ssettag $0x2  }
0x122: {  	s0 =	rddreg [dreg:$0x0];
	s2 =	stileid.u32  }
0x123: {  	s1 =	rddreg [dreg:$0x1];
	p0 =	sne.s32 s2, $0x0  }
0x124: {  	s3 =	rddreg [dreg:$0x2];
	[bflag:$0x3] =	sbarrier.arrive $0xFFFF;
	s2 =	simm.s32 @!p0 $0x1C06  }
0x125: {  	[timem:s3], [sflag:s2] =	dma.local @!p0 [hbm:s0], s1  }
0x126: {  	s0 =	simm.s32 @!p0 $0x6  }
0x127: {  	_ =	swait.ge @!p0 [sflag:s0], s1  }
0x128: {  	s1 =	ssub.s32 @!p0 $0x0, s1;
	[sflag:s0] =	ssyncset.done @!p0 $0x0  }
0x129: {  	[sflag:s0] =	ssyncadd.s32 @!p0 s1  }
0x12a: {  	[bflag:$0x3] =	sbarrier.arrive $0xFFFF  }
0x12b: {  	_ =	shalt  }

</sc_bundles>
